<compile_context>
chip_gen: v7x
topology: tpu7x:2x2x1
jax: 0.10.2.dev20260603
libtpu: 0.0.44.dev20260713+nightly
codegen_flags: <defaults>
</compile_context>

<pallas_src>
import functools

import jax
import jax.numpy as jnp
from jax import lax
from jax.experimental import pallas as pl
from jax.experimental.pallas import tpu as pltpu
from jax.experimental.pallas import tpu_sc as plsc

_NW = 32
_CHUNK = 400
_NBUF = 2
_L = 16


@functools.partial(jax.jit, static_argnames=("n_rows", "d"))
def _sc_embed(table, idx_flat, n_rows, d):
    b_total = idx_flat.shape[0]
    b_per_w = b_total // _NW
    n_chunks = b_per_w // _CHUNK
    mesh = plsc.VectorSubcoreMesh(core_axis_name="c", subcore_axis_name="s")

    @functools.partial(
        pl.kernel,
        mesh=mesh,
        out_type=jax.ShapeDtypeStruct((b_total, d), jnp.float32),
        scratch_types=[
            pltpu.VMEM((n_rows * d,), jnp.float32),
            pltpu.VMEM((_CHUNK,), jnp.int32),
            pltpu.VMEM((_CHUNK,), jnp.int32),
            pltpu.VMEM((_CHUNK, d), jnp.float32),
            pltpu.VMEM((_CHUNK, d), jnp.float32),
            pltpu.SemaphoreType.DMA,
            pltpu.SemaphoreType.DMA,
            pltpu.SemaphoreType.DMA,
            pltpu.SemaphoreType.DMA,
            pltpu.SemaphoreType.DMA,
        ],
        compiler_params=pltpu.CompilerParams(needs_layout_passes=False),
    )
    def k(table_hbm, idx_hbm, out_hbm, table_v, idx_v0, idx_v1,
          rows_v0, rows_v1, sem_t, sem_i0, sem_i1, sem_o0, sem_o1):
        cid = lax.axis_index("c")
        sid = lax.axis_index("s")
        wid = sid * 2 + cid
        base0 = wid * b_per_w
        idx_v = (idx_v0, idx_v1)
        rows_v = (rows_v0, rows_v1)
        sem_i = (sem_i0, sem_i1)
        sem_o = (sem_o0, sem_o1)

        def idx_copy(i, b):
            return pltpu.make_async_copy(
                idx_hbm.at[pl.ds(base0 + i * _CHUNK, _CHUNK)],
                idx_v[b], sem_i[b])

        def out_copy(i, b):
            return pltpu.make_async_copy(
                rows_v[b],
                out_hbm.at[pl.ds(base0 + i * _CHUNK, _CHUNK)],
                sem_o[b])

        pltpu.make_async_copy(table_hbm, table_v, sem_t).start()
        idx_copy(0, 0).start()
        idx_copy(1, 1).start()
        pltpu.make_async_copy(table_hbm, table_v, sem_t).wait()

        @pl.loop(0, n_chunks, step=_NBUF)
        def step(gi):
            for b in range(_NBUF):
                i = gi + b
                @pl.when(i >= _NBUF)
                def _():
                    out_copy(i - _NBUF, b).wait()

                idx_copy(i, b).wait()

                @pl.loop(0, _CHUNK // _L)
                def grp(g):
                    i0 = g * _L
                    la = idx_v[b][pl.ds(i0, _L)] * d
                    for l in range(_L):
                        s = la[l]
                        for cb in range(d // _L):
                            rows_v[b][i0 + l, pl.ds(cb * _L, _L)] = (
                                table_v[pl.ds(s + cb * _L, _L)])

                out_copy(i, b).start()

                @pl.when(i + _NBUF < n_chunks)
                def _():
                    idx_copy(i + _NBUF, b).start()

        out_copy(n_chunks - 2, (n_chunks - 2) % _NBUF).wait()
        out_copy(n_chunks - 1, (n_chunks - 1) % _NBUF).wait()

    return k(table.reshape(-1), idx_flat)


def kernel(x, table):
    s0, s1 = x.shape
    d = table.shape[1]
    idx_flat = x.reshape(-1).astype(jnp.int32)
    out = _sc_embed(table, idx_flat, table.shape[0], d)
    return out.reshape(s0, s1, d)

# --- scband reference (transcript-rebuilt; emitter-appended) ---
"""Pipeline reference for scband-space-group-embedding-16037407883360 (READ-ONLY COPY).

The authoritative reference and input builder live on the scoring server;
editing this copy changes nothing except your own understanding.
"""

import jax, jax.numpy as jnp
import numpy as np

def setup_inputs(seed: int = 0) -> dict:
    key = jax.random.key(seed)
    k1, k2 = jax.random.split(key)
    x = jax.random.randint(k1, (16384, 200), 0, 231, dtype=jnp.int64) if jax.config.jax_enable_x64 else jax.random.randint(k1, (16384, 200), 0, 231, dtype=jnp.int32)
    table = jax.random.normal(k2, (231, 64), dtype=jnp.float32)
    return {"x": x, "table": table}

def reference(x, table):
    # nn.Embedding forward: gather rows of the table by index
    return jnp.take(table, x, axis=0)

if __name__ == "__main__":
    import jax
    _d = setup_inputs()
    print(jax.jit(kernel)(*tuple(_d.values())))

</pallas_src>

<mosaic_0001>
#map = affine_map<(d0, d1) -> (0)>
#map1 = affine_map<(d0, d1) -> (0, 0)>
module attributes {stable_mosaic.version = 14 : i64} {
  func.func @k(%arg0: i32, %arg1: i32, %arg2: memref<14784xf32, #tpu.memory_space<hbm>>, %arg3: memref<3276800xi32, #tpu.memory_space<hbm>>, %arg4: memref<3276800x64xf32, #tpu.memory_space<hbm>>, %arg5: memref<14784xf32, #tpu.memory_space<vmem>>, %arg6: memref<400xi32, #tpu.memory_space<vmem>>, %arg7: memref<400xi32, #tpu.memory_space<vmem>>, %arg8: memref<400x64xf32, #tpu.memory_space<vmem>>, %arg9: memref<400x64xf32, #tpu.memory_space<vmem>>, %arg10: memref<!tpu.dma_semaphore, #tpu.memory_space<semaphore_mem>>, %arg11: memref<!tpu.dma_semaphore, #tpu.memory_space<semaphore_mem>>, %arg12: memref<!tpu.dma_semaphore, #tpu.memory_space<semaphore_mem>>, %arg13: memref<!tpu.dma_semaphore, #tpu.memory_space<semaphore_mem>>, %arg14: memref<!tpu.dma_semaphore, #tpu.memory_space<semaphore_mem>>) attributes {dimension_semantics = [#tpu.dimension_semantics<core_parallel>, #tpu.dimension_semantics<subcore_parallel>], iteration_bounds = array<i64: 2, 16>, scalar_prefetch = 0 : i64, scratch_operands = 10 : i64, tpu.core_type = #tpu.core_type<sc_vector_subcore>, window_params = [{transform_indices = #map}, {transform_indices = #map}, {transform_indices = #map1}]} {
    %mul3A = arith.constant 2 : i32
    %mul3A_0 = arith.muli %arg1, %mul3A : i32
    %add3A = arith.addi %mul3A_0, %arg0 : i32
    %mul3A_1 = arith.constant 102400 : i32
    %mul3A_2 = arith.muli %add3A, %mul3A_1 : i32
    tpu.enqueue_dma source(%arg2 : memref<14784xf32, #tpu.memory_space<hbm>>) target(%arg5 : memref<14784xf32, #tpu.memory_space<vmem>>) target_semaphore(%arg10 : memref<!tpu.dma_semaphore, #tpu.memory_space<semaphore_mem>>)
    %add3A_3 = arith.constant 0 : i32
    %add3A_4 = arith.addi %mul3A_2, %add3A_3 : i32
    %dma_start3A = tpu.memref_slice %arg3[%add3A_4] : memref<3276800xi32, #tpu.memory_space<hbm>> -> memref<400xi32, #tpu.memory_space<hbm>>
    %dma_start3A_5 = tpu.memref_slice %arg3[%add3A_4] : memref<3276800xi32, #tpu.memory_space<hbm>> -> memref<400xi32, #tpu.memory_space<hbm>>
    tpu.enqueue_dma source(%dma_start3A_5 : memref<400xi32, #tpu.memory_space<hbm>>) target(%arg6 : memref<400xi32, #tpu.memory_space<vmem>>) target_semaphore(%arg11 : memref<!tpu.dma_semaphore, #tpu.memory_space<semaphore_mem>>)
    %add3A_6 = arith.constant 400 : i32
    %add3A_7 = arith.addi %mul3A_2, %add3A_6 : i32
    %dma_start3A_8 = tpu.memref_slice %arg3[%add3A_7] : memref<3276800xi32, #tpu.memory_space<hbm>> -> memref<400xi32, #tpu.memory_space<hbm>>
    %dma_start3A_9 = tpu.memref_slice %arg3[%add3A_7] : memref<3276800xi32, #tpu.memory_space<hbm>> -> memref<400xi32, #tpu.memory_space<hbm>>
    tpu.enqueue_dma source(%dma_start3A_9 : memref<400xi32, #tpu.memory_space<hbm>>) target(%arg7 : memref<400xi32, #tpu.memory_space<vmem>>) target_semaphore(%arg12 : memref<!tpu.dma_semaphore, #tpu.memory_space<semaphore_mem>>)
    tpu.wait_dma2 semaphore(%arg10 : memref<!tpu.dma_semaphore, #tpu.memory_space<semaphore_mem>>) src(%arg2 : memref<14784xf32, #tpu.memory_space<hbm>>) dst(%arg5 : memref<14784xf32, #tpu.memory_space<vmem>>)
    %scan3A = arith.constant 0 : i32
    %scan3A_10 = arith.constant 128 : i32
    %scan3A_11 = arith.addi %scan3A, %scan3A_10 : i32
    %scan3A_12 = arith.constant 1 : i32
    scf.for %scan3A_25 = %scan3A to %scan3A_11 step %scan3A_12  : i32 {
      %mul3A_26 = arith.constant 2 : i32
      %mul3A_27 = arith.muli %scan3A_25, %mul3A_26 : i32
      %add3A_28 = arith.constant 0 : i32
      %add3A_29 = arith.addi %add3A_28, %mul3A_27 : i32
      %add3A_30 = arith.constant 0 : i32
      %add3A_31 = arith.addi %add3A_29, %add3A_30 : i32
      %ge3A = arith.constant 2 : i32
      %ge3A_32 = arith.cmpi sge, %add3A_31, %ge3A : i32
      %convert_element_type3A = arith.extui %ge3A_32 : i1 to i32
      %cond3A = arith.constant 0 : i32
      %cond3A_33 = arith.cmpi ne, %convert_element_type3A, %cond3A : i32
      scf.if %cond3A_33 {
        %sub3A = arith.constant 2 : i32
        %sub3A_88 = arith.subi %add3A_31, %sub3A : i32
        %mul3A_89 = arith.constant 400 : i32
        %mul3A_90 = arith.muli %sub3A_88, %mul3A_89 : i32
        %add3A_91 = arith.addi %mul3A_2, %mul3A_90 : i32
        %dma_wait3A_92 = arith.constant 0 : i32
        %dma_wait3A_93 = tpu.memref_slice %arg4[%add3A_91, %dma_wait3A_92] : memref<3276800x64xf32, #tpu.memory_space<hbm>> -> memref<400x64xf32, #tpu.memory_space<hbm>>
        %dma_wait3A_94 = arith.constant 0 : i32
        %dma_wait3A_95 = tpu.memref_slice %arg4[%add3A_91, %dma_wait3A_94] : memref<3276800x64xf32, #tpu.memory_space<hbm>> -> memref<400x64xf32, #tpu.memory_space<hbm>>
        tpu.wait_dma2 semaphore(%arg13 : memref<!tpu.dma_semaphore, #tpu.memory_space<semaphore_mem>>) src(%arg8 : memref<400x64xf32, #tpu.memory_space<vmem>>) dst(%dma_wait3A_95 : memref<400x64xf32, #tpu.memory_space<hbm>>)
      } else {
      }
      %mul3A_34 = arith.constant 400 : i32
      %mul3A_35 = arith.muli %add3A_31, %mul3A_34 : i32
      %add3A_36 = arith.addi %mul3A_2, %mul3A_35 : i32
      %dma_wait3A_37 = tpu.memref_slice %arg3[%add3A_36] : memref<3276800xi32, #tpu.memory_space<hbm>> -> memref<400xi32, #tpu.memory_space<hbm>>
      %dma_wait3A_38 = tpu.memref_slice %arg3[%add3A_36] : memref<3276800xi32, #tpu.memory_space<hbm>> -> memref<400xi32, #tpu.memory_space<hbm>>
      tpu.wait_dma2 semaphore(%arg11 : memref<!tpu.dma_semaphore, #tpu.memory_space<semaphore_mem>>) src(%dma_wait3A_38 : memref<400xi32, #tpu.memory_space<hbm>>) dst(%arg6 : memref<400xi32, #tpu.memory_space<vmem>>)
      %scan3A_39 = arith.constant 0 : i32
      %scan3A_40 = arith.constant 25 : i32
      %scan3A_41 = arith.addi %scan3A_39, %scan3A_40 : i32
      %scan3A_42 = arith.constant 1 : i32
      scf.for %scan3A_88 = %scan3A_39 to %scan3A_41 step %scan3A_42  : i32 {
        %mul3A_89 = arith.constant 1 : i32
        %mul3A_90 = arith.muli %scan3A_88, %mul3A_89 : i32
        %add3A_91 = arith.constant 0 : i32
        %add3A_92 = arith.addi %add3A_91, %mul3A_90 : i32
        %mul3A_93 = arith.constant 16 : i32
        %mul3A_94 = arith.muli %add3A_92, %mul3A_93 : i32
        %get3A = arith.index_cast %mul3A_94 : i32 to index
        %get3A_95 = tpu.vector_load %arg6[%get3A] {strides = array<i32>} : memref<400xi32, #tpu.memory_space<vmem>>, vector<16xi32>,
        %mul3A_96 = arith.constant 64 : i32
        %mul3A_97 = vector.broadcast %mul3A_96 : i32 to vector<16xi32>
        %mul3A_98 = arith.muli %get3A_95, %mul3A_97 : vector<16xi32>
        %slice3A = vector.extract_strided_slice %mul3A_98 {offsets = [0], sizes = [1], strides = [1]} : vector<16xi32> to vector<1xi32>
        %squeeze3A = vector.extract %slice3A[0] : i32 from vector<1xi32>
        %add3A_99 = arith.constant 0 : i32
        %add3A_100 = arith.addi %squeeze3A, %add3A_99 : i32
        %get3A_101 = arith.index_cast %add3A_100 : i32 to index
        %get3A_102 = tpu.vector_load %arg5[%get3A_101] {strides = array<i32>} : memref<14784xf32, #tpu.memory_space<vmem>>, vector<16xf32>,
        %add3A_103 = arith.constant 0 : i32
        %add3A_104 = arith.addi %mul3A_94, %add3A_103 : i32
        %swap3A = arith.index_cast %add3A_104 : i32 to index
        %swap3A_105 = arith.constant 0 : index
        %swap3A_106 = tpu.vector_load %arg8[%swap3A, %swap3A_105] {strides = array<i32>} : memref<400x64xf32, #tpu.memory_space<vmem>>, vector<16xf32>,
        tpu.vector_store %arg8[%swap3A, %swap3A_105], %get3A_102 {strides = array<i32>} : memref<400x64xf32, #tpu.memory_space<vmem>>, vector<16xf32>,
        %add3A_107 = arith.constant 16 : i32
        %add3A_108 = arith.addi %squeeze3A, %add3A_107 : i32
        %get3A_109 = arith.index_cast %add3A_108 : i32 to index
        %get3A_110 = tpu.vector_load %arg5[%get3A_109] {strides = array<i32>} : memref<14784xf32, #tpu.memory_space<vmem>>, vector<16xf32>,
        %add3A_111 = arith.constant 0 : i32
        %add3A_112 = arith.addi %mul3A_94, %add3A_111 : i32
        %swap3A_113 = arith.index_cast %add3A_112 : i32 to index
        %swap3A_114 = arith.constant 16 : index
        %swap3A_115 = tpu.vector_load %arg8[%swap3A_113, %swap3A_114] {strides = array<i32>} : memref<400x64xf32, #tpu.memory_space<vmem>>, vector<16xf32>,
        tpu.vector_store %arg8[%swap3A_113, %swap3A_114], %get3A_110 {strides = array<i32>} : memref<400x64xf32, #tpu.memory_space<vmem>>, vector<16xf32>,
        %add3A_116 = arith.constant 32 : i32
        %add3A_117 = arith.addi %squeeze3A, %add3A_116 : i32
        %get3A_118 = arith.index_cast %add3A_117 : i32 to index
        %get3A_119 = tpu.vector_load %arg5[%get3A_118] {strides = array<i32>} : memref<14784xf32, #tpu.memory_space<vmem>>, vector<16xf32>,
        %add3A_120 = arith.constant 0 : i32
        %add3A_121 = arith.addi %mul3A_94, %add3A_120 : i32
        %swap3A_122 = arith.index_cast %add3A_121 : i32 to index
        %swap3A_123 = arith.constant 32 : index
        %swap3A_124 = tpu.vector_load %arg8[%swap3A_122, %swap3A_123] {strides = array<i32>} : memref<400x64xf32, #tpu.memory_space<vmem>>, vector<16xf32>,
        tpu.vector_store %arg8[%swap3A_122, %swap3A_123], %get3A_119 {strides = array<i32>} : memref<400x64xf32, #tpu.memory_space<vmem>>, vector<16xf32>,
        %add3A_125 = arith.constant 48 : i32
        %add3A_126 = arith.addi %squeeze3A, %add3A_125 : i32
        %get3A_127 = arith.index_cast %add3A_126 : i32 to index
        %get3A_128 = tpu.vector_load %arg5[%get3A_127] {strides = array<i32>} : memref<14784xf32, #tpu.memory_space<vmem>>, vector<16xf32>,
        %add3A_129 = arith.constant 0 : i32
        %add3A_130 = arith.addi %mul3A_94, %add3A_129 : i32
        %swap3A_131 = arith.index_cast %add3A_130 : i32 to index
        %swap3A_132 = arith.constant 48 : index
        %swap3A_133 = tpu.vector_load %arg8[%swap3A_131, %swap3A_132] {strides = array<i32>} : memref<400x64xf32, #tpu.memory_space<vmem>>, vector<16xf32>,
        tpu.vector_store %arg8[%swap3A_131, %swap3A_132], %get3A_128 {strides = array<i32>} : memref<400x64xf32, #tpu.memory_space<vmem>>, vector<16xf32>,
        %slice3A_134 = vector.extract_strided_slice %mul3A_98 {offsets = [1], sizes = [1], strides = [1]} : vector<16xi32> to vector<1xi32>
        %squeeze3A_135 = vector.extract %slice3A_134[0] : i32 from vector<1xi32>
        %add3A_136 = arith.constant 0 : i32
        %add3A_137 = arith.addi %squeeze3A_135, %add3A_136 : i32
        %get3A_138 = arith.index_cast %add3A_137 : i32 to index
        %get3A_139 = tpu.vector_load %arg5[%get3A_138] {strides = array<i32>} : memref<14784xf32, #tpu.memory_space<vmem>>, vector<16xf32>,
        %add3A_140 = arith.constant 1 : i32
        %add3A_141 = arith.addi %mul3A_94, %add3A_140 : i32
        %swap3A_142 = arith.index_cast %add3A_141 : i32 to index
        %swap3A_143 = arith.constant 0 : index
        %swap3A_144 = tpu.vector_load %arg8[%swap3A_142, %swap3A_143] {strides = array<i32>} : memref<400x64xf32, #tpu.memory_space<vmem>>, vector<16xf32>,
        tpu.vector_store %arg8[%swap3A_142, %swap3A_143], %get3A_139 {strides = array<i32>} : memref<400x64xf32, #tpu.memory_space<vmem>>, vector<16xf32>,
        %add3A_145 = arith.constant 16 : i32
        %add3A_146 = arith.addi %squeeze3A_135, %add3A_145 : i32
        %get3A_147 = arith.index_cast %add3A_146 : i32 to index
        %get3A_148 = tpu.vector_load %arg5[%get3A_147] {strides = array<i32>} : memref<14784xf32, #tpu.memory_space<vmem>>, vector<16xf32>,
        %add3A_149 = arith.constant 1 : i32
        %add3A_150 = arith.addi %mul3A_94, %add3A_149 : i32
        %swap3A_151 = arith.index_cast %add3A_150 : i32 to index
        %swap3A_152 = arith.constant 16 : index
        %swap3A_153 = tpu.vector_load %arg8[%swap3A_151, %swap3A_152] {strides = array<i32>} : memref<400x64xf32, #tpu.memory_space<vmem>>, vector<16xf32>,
        tpu.vector_store %arg8[%swap3A_151, %swap3A_152], %get3A_148 {strides = array<i32>} : memref<400x64xf32, #tpu.memory_space<vmem>>, vector<16xf32>,
        %add3A_154 = arith.constant 32 : i32
        %add3A_155 = arith.addi %squeeze3A_135, %add3A_154 : i32
        %get3A_156 = arith.index_cast %add3A_155 : i32 to index
        %get3A_157 = tpu.vector_load %arg5[%get3A_156] {strides = array<i32>} : memref<14784xf32, #tpu.memory_space<vmem>>, vector<16xf32>,
        %add3A_158 = arith.constant 1 : i32
        %add3A_159 = arith.addi %mul3A_94, %add3A_158 : i32
        %swap3A_160 = arith.index_cast %add3A_159 : i32 to index
        %swap3A_161 = arith.constant 32 : index
        %swap3A_162 = tpu.vector_load %arg8[%swap3A_160, %swap3A_161] {strides = array<i32>} : memref<400x64xf32, #tpu.memory_space<vmem>>, vector<16xf32>,
        tpu.vector_store %arg8[%swap3A_160, %swap3A_161], %get3A_157 {strides = array<i32>} : memref<400x64xf32, #tpu.memory_space<vmem>>, vector<16xf32>,
        %add3A_163 = arith.constant 48 : i32
        %add3A_164 = arith.addi %squeeze3A_135, %add3A_163 : i32
        %get3A_165 = arith.index_cast %add3A_164 : i32 to index
        %get3A_166 = tpu.vector_load %arg5[%get3A_165] {strides = array<i32>} : memref<14784xf32, #tpu.memory_space<vmem>>, vector<16xf32>,
        %add3A_167 = arith.constant 1 : i32
        %add3A_168 = arith.addi %mul3A_94, %add3A_167 : i32
        %swap3A_169 = arith.index_cast %add3A_168 : i32 to index
        %swap3A_170 = arith.constant 48 : index
        %swap3A_171 = tpu.vector_load %arg8[%swap3A_169, %swap3A_170] {strides = array<i32>} : memref<400x64xf32, #tpu.memory_space<vmem>>, vector<16xf32>,
        tpu.vector_store %arg8[%swap3A_169, %swap3A_170], %get3A_166 {strides = array<i32>} : memref<400x64xf32, #tpu.memory_space<vmem>>, vector<16xf32>,
        %slice3A_172 = vector.extract_strided_slice %mul3A_98 {offsets = [2], sizes = [1], strides = [1]} : vector<16xi32> to vector<1xi32>
        %squeeze3A_173 = vector.extract %slice3A_172[0] : i32 from vector<1xi32>
        %add3A_174 = arith.constant 0 : i32
        %add3A_175 = arith.addi %squeeze3A_173, %add3A_174 : i32
        %get3A_176 = arith.index_cast %add3A_175 : i32 to index
        %get3A_177 = tpu.vector_load %arg5[%get3A_176] {strides = array<i32>} : memref<14784xf32, #tpu.memory_space<vmem>>, vector<16xf32>,
        %add3A_178 = arith.constant 2 : i32
        %add3A_179 = arith.addi %mul3A_94, %add3A_178 : i32
        %swap3A_180 = arith.index_cast %add3A_179 : i32 to index
        %swap3A_181 = arith.constant 0 : index
        %swap3A_182 = tpu.vector_load %arg8[%swap3A_180, %swap3A_181] {strides = array<i32>} : memref<400x64xf32, #tpu.memory_space<vmem>>, vector<16xf32>,
        tpu.vector_store %arg8[%swap3A_180, %swap3A_181], %get3A_177 {strides = array<i32>} : memref<400x64xf32, #tpu.memory_space<vmem>>, vector<16xf32>,
        %add3A_183 = arith.constant 16 : i32
        %add3A_184 = arith.addi %squeeze3A_173, %add3A_183 : i32
        %get3A_185 = arith.index_cast %add3A_184 : i32 to index
        %get3A_186 = tpu.vector_load %arg5[%get3A_185] {strides = array<i32>} : memref<14784xf32, #tpu.memory_space<vmem>>, vector<16xf32>,
        %add3A_187 = arith.constant 2 : i32
        %add3A_188 = arith.addi %mul3A_94, %add3A_187 : i32
        %swap3A_189 = arith.index_cast %add3A_188 : i32 to index
        %swap3A_190 = arith.constant 16 : index
        %swap3A_191 = tpu.vector_load %arg8[%swap3A_189, %swap3A_190] {strides = array<i32>} : memref<400x64xf32, #tpu.memory_space<vmem>>, vector<16xf32>,
        tpu.vector_store %arg8[%swap3A_189, %swap3A_190], %get3A_186 {strides = array<i32>} : memref<400x64xf32, #tpu.memory_space<vmem>>, vector<16xf32>,
        %add3A_192 = arith.constant 32 : i32
        %add3A_193 = arith.addi %squeeze3A_173, %add3A_192 : i32
        %get3A_194 = arith.index_cast %add3A_193 : i32 to index
        %get3A_195 = tpu.vector_load %arg5[%get3A_194] {strides = array<i32>} : memref<14784xf32, #tpu.memory_space<vmem>>, vector<16xf32>,
        %add3A_196 = arith.constant 2 : i32
        %add3A_197 = arith.addi %mul3A_94, %add3A_196 : i32
        %swap3A_198 = arith.index_cast %add3A_197 : i32 to index
        %swap3A_199 = arith.constant 32 : index
        %swap3A_200 = tpu.vector_load %arg8[%swap3A_198, %swap3A_199] {strides = array<i32>} : memref<400x64xf32, #tpu.memory_space<vmem>>, vector<16xf32>,
        tpu.vector_store %arg8[%swap3A_198, %swap3A_199], %get3A_195 {strides = array<i32>} : memref<400x64xf32, #tpu.memory_space<vmem>>, vector<16xf32>,
        %add3A_201 = arith.constant 48 : i32
        %add3A_202 = arith.addi %squeeze3A_173, %add3A_201 : i32
        %get3A_203 = arith.index_cast %add3A_202 : i32 to index
        %get3A_204 = tpu.vector_load %arg5[%get3A_203] {strides = array<i32>} : memref<14784xf32, #tpu.memory_space<vmem>>, vector<16xf32>,
        %add3A_205 = arith.constant 2 : i32
        %add3A_206 = arith.addi %mul3A_94, %add3A_205 : i32
        %swap3A_207 = arith.index_cast %add3A_206 : i32 to index
        %swap3A_208 = arith.constant 48 : index
        %swap3A_209 = tpu.vector_load %arg8[%swap3A_207, %swap3A_208] {strides = array<i32>} : memref<400x64xf32, #tpu.memory_space<vmem>>, vector<16xf32>,
        tpu.vector_store %arg8[%swap3A_207, %swap3A_208], %get3A_204 {strides = array<i32>} : memref<400x64xf32, #tpu.memory_space<vmem>>, vector<16xf32>,
        %slice3A_210 = vector.extract_strided_slice %mul3A_98 {offsets = [3], sizes = [1], strides = [1]} : vector<16xi32> to vector<1xi32>
        %squeeze3A_211 = vector.extract %slice3A_210[0] : i32 from vector<1xi32>
        %add3A_212 = arith.constant 0 : i32
        %add3A_213 = arith.addi %squeeze3A_211, %add3A_212 : i32
        %get3A_214 = arith.index_cast %add3A_213 : i32 to index
        %get3A_215 = tpu.vector_load %arg5[%get3A_214] {strides = array<i32>} : memref<14784xf32, #tpu.memory_space<vmem>>, vector<16xf32>,
        %add3A_216 = arith.constant 3 : i32
        %add3A_217 = arith.addi %mul3A_94, %add3A_216 : i32
        %swap3A_218 = arith.index_cast %add3A_217 : i32 to index
        %swap3A_219 = arith.constant 0 : index
        %swap3A_220 = tpu.vector_load %arg8[%swap3A_218, %swap3A_219] {strides = array<i32>} : memref<400x64xf32, #tpu.memory_space<vmem>>, vector<16xf32>,
        tpu.vector_store %arg8[%swap3A_218, %swap3A_219], %get3A_215 {strides = array<i32>} : memref<400x64xf32, #tpu.memory_space<vmem>>, vector<16xf32>,
        %add3A_221 = arith.constant 16 : i32
        %add3A_222 = arith.addi %squeeze3A_211, %add3A_221 : i32
        %get3A_223 = arith.index_cast %add3A_222 : i32 to index
        %get3A_224 = tpu.vector_load %arg5[%get3A_223] {strides = array<i32>} : memref<14784xf32, #tpu.memory_space<vmem>>, vector<16xf32>,
        %add3A_225 = arith.constant 3 : i32
        %add3A_226 = arith.addi %mul3A_94, %add3A_225 : i32
        %swap3A_227 = arith.index_cast %add3A_226 : i32 to index
        %swap3A_228 = arith.constant 16 : index
        %swap3A_229 = tpu.vector_load %arg8[%swap3A_227, %swap3A_228] {strides = array<i32>} : memref<400x64xf32, #tpu.memory_space<vmem>>, vector<16xf32>,
        tpu.vector_store %arg8[%swap3A_227, %swap3A_228], %get3A_224 {strides = array<i32>} : memref<400x64xf32, #tpu.memory_space<vmem>>, vector<16xf32>,
        %add3A_230 = arith.constant 32 : i32
        %add3A_231 = arith.addi %squeeze3A_211, %add3A_230 : i32
        %get3A_232 = arith.index_cast %add3A_231 : i32 to index
        %get3A_233 = tpu.vector_load %arg5[%get3A_232] {strides = array<i32>} : memref<14784xf32, #tpu.memory_space<vmem>>, vector<16xf32>,
        %add3A_234 = arith.constant 3 : i32
        %add3A_235 = arith.addi %mul3A_94, %add3A_234 : i32
        %swap3A_236 = arith.index_cast %add3A_235 : i32 to index
        %swap3A_237 = arith.constant 32 : index
        %swap3A_238 = tpu.vector_load %arg8[%swap3A_236, %swap3A_237] {strides = array<i32>} : memref<400x64xf32, #tpu.memory_space<vmem>>, vector<16xf32>,
        tpu.vector_store %arg8[%swap3A_236, %swap3A_237], %get3A_233 {strides = array<i32>} : memref<400x64xf32, #tpu.memory_space<vmem>>, vector<16xf32>,
        %add3A_239 = arith.constant 48 : i32
        %add3A_240 = arith.addi %squeeze3A_211, %add3A_239 : i32
        %get3A_241 = arith.index_cast %add3A_240 : i32 to index
        %get3A_242 = tpu.vector_load %arg5[%get3A_241] {strides = array<i32>} : memref<14784xf32, #tpu.memory_space<vmem>>, vector<16xf32>,
        %add3A_243 = arith.constant 3 : i32
        %add3A_244 = arith.addi %mul3A_94, %add3A_243 : i32
        %swap3A_245 = arith.index_cast %add3A_244 : i32 to index
        %swap3A_246 = arith.constant 48 : index
        %swap3A_247 = tpu.vector_load %arg8[%swap3A_245, %swap3A_246] {strides = array<i32>} : memref<400x64xf32, #tpu.memory_space<vmem>>, vector<16xf32>,
        tpu.vector_store %arg8[%swap3A_245, %swap3A_246], %get3A_242 {strides = array<i32>} : memref<400x64xf32, #tpu.memory_space<vmem>>, vector<16xf32>,
        %slice3A_248 = vector.extract_strided_slice %mul3A_98 {offsets = [4], sizes = [1], strides = [1]} : vector<16xi32> to vector<1xi32>
        %squeeze3A_249 = vector.extract %slice3A_248[0] : i32 from vector<1xi32>
        %add3A_250 = arith.constant 0 : i32
        %add3A_251 = arith.addi %squeeze3A_249, %add3A_250 : i32
        %get3A_252 = arith.index_cast %add3A_251 : i32 to index
        %get3A_253 = tpu.vector_load %arg5[%get3A_252] {strides = array<i32>} : memref<14784xf32, #tpu.memory_space<vmem>>, vector<16xf32>,
        %add3A_254 = arith.constant 4 : i32
        %add3A_255 = arith.addi %mul3A_94, %add3A_254 : i32
        %swap3A_256 = arith.index_cast %add3A_255 : i32 to index
        %swap3A_257 = arith.constant 0 : index
        %swap3A_258 = tpu.vector_load %arg8[%swap3A_256, %swap3A_257] {strides = array<i32>} : memref<400x64xf32, #tpu.memory_space<vmem>>, vector<16xf32>,
        tpu.vector_store %arg8[%swap3A_256, %swap3A_257], %get3A_253 {strides = array<i32>} : memref<400x64xf32, #tpu.memory_space<vmem>>, vector<16xf32>,
        %add3A_259 = arith.constant 16 : i32
        %add3A_260 = arith.addi %squeeze3A_249, %add3A_259 : i32
        %get3A_261 = arith.index_cast %add3A_260 : i32 to index
        %get3A_262 = tpu.vector_load %arg5[%get3A_261] {strides = array<i32>} : memref<14784xf32, #tpu.memory_space<vmem>>, vector<16xf32>,
        %add3A_263 = arith.constant 4 : i32
        %add3A_264 = arith.addi %mul3A_94, %add3A_263 : i32
        %swap3A_265 = arith.index_cast %add3A_264 : i32 to index
        %swap3A_266 = arith.constant 16 : index
        %swap3A_267 = tpu.vector_load %arg8[%swap3A_265, %swap3A_266] {strides = array<i32>} : memref<400x64xf32, #tpu.memory_space<vmem>>, vector<16xf32>,
        tpu.vector_store %arg8[%swap3A_265, %swap3A_266], %get3A_262 {strides = array<i32>} : memref<400x64xf32, #tpu.memory_space<vmem>>, vector<16xf32>,
        %add3A_268 = arith.constant 32 : i32
        %add3A_269 = arith.addi %squeeze3A_249, %add3A_268 : i32
        %get3A_270 = arith.index_cast %add3A_269 : i32 to index
        %get3A_271 = tpu.vector_load %arg5[%get3A_270] {strides = array<i32>} : memref<14784xf32, #tpu.memory_space<vmem>>, vector<16xf32>,
        %add3A_272 = arith.constant 4 : i32
        %add3A_273 = arith.addi %mul3A_94, %add3A_272 : i32
        %swap3A_274 = arith.index_cast %add3A_273 : i32 to index
        %swap3A_275 = arith.constant 32 : index
        %swap3A_276 = tpu.vector_load %arg8[%swap3A_274, %swap3A_275] {strides = array<i32>} : memref<400x64xf32, #tpu.memory_space<vmem>>, vector<16xf32>,
        tpu.vector_store %arg8[%swap3A_274, %swap3A_275], %get3A_271 {strides = array<i32>} : memref<400x64xf32, #tpu.memory_space<vmem>>, vector<16xf32>,
        %add3A_277 = arith.constant 48 : i32
        %add3A_278 = arith.addi %squeeze3A_249, %add3A_277 : i32
        %get3A_279 = arith.index_cast %add3A_278 : i32 to index
        %get3A_280 = tpu.vector_load %arg5[%get3A_279] {strides = array<i32>} : memref<14784xf32, #tpu.memory_space<vmem>>, vector<16xf32>,
        %add3A_281 = arith.constant 4 : i32
        %add3A_282 = arith.addi %mul3A_94, %add3A_281 : i32
        %swap3A_283 = arith.index_cast %add3A_282 : i32 to index
        %swap3A_284 = arith.constant 48 : index
        %swap3A_285 = tpu.vector_load %arg8[%swap3A_283, %swap3A_284] {strides = array<i32>} : memref<400x64xf32, #tpu.memory_space<vmem>>, vector<16xf32>,
        tpu.vector_store %arg8[%swap3A_283, %swap3A_284], %get3A_280 {strides = array<i32>} : memref<400x64xf32, #tpu.memory_space<vmem>>, vector<16xf32>,
        %slice3A_286 = vector.extract_strided_slice %mul3A_98 {offsets = [5], sizes = [1], strides = [1]} : vector<16xi32> to vector<1xi32>
        %squeeze3A_287 = vector.extract %slice3A_286[0] : i32 from vector<1xi32>
        %add3A_288 = arith.constant 0 : i32
        %add3A_289 = arith.addi %squeeze3A_287, %add3A_288 : i32
        %get3A_290 = arith.index_cast %add3A_289 : i32 to index
        %get3A_291 = tpu.vector_load %arg5[%get3A_290] {strides = array<i32>} : memref<14784xf32, #tpu.memory_space<vmem>>, vector<16xf32>,
        %add3A_292 = arith.constant 5 : i32
        %add3A_293 = arith.addi %mul3A_94, %add3A_292 : i32
        %swap3A_294 = arith.index_cast %add3A_293 : i32 to index
        %swap3A_295 = arith.constant 0 : index
        %swap3A_296 = tpu.vector_load %arg8[%swap3A_294, %swap3A_295] {strides = array<i32>} : memref<400x64xf32, #tpu.memory_space<vmem>>, vector<16xf32>,
        tpu.vector_store %arg8[%swap3A_294, %swap3A_295], %get3A_291 {strides = array<i32>} : memref<400x64xf32, #tpu.memory_space<vmem>>, vector<16xf32>,
        %add3A_297 = arith.constant 16 : i32
        %add3A_298 = arith.addi %squeeze3A_287, %add3A_297 : i32
        %get3A_299 = arith.index_cast %add3A_298 : i32 to index
        %get3A_300 = tpu.vector_load %arg5[%get3A_299] {strides = array<i32>} : memref<14784xf32, #tpu.memory_space<vmem>>, vector<16xf32>,
        %add3A_301 = arith.constant 5 : i32
        %add3A_302 = arith.addi %mul3A_94, %add3A_301 : i32
        %swap3A_303 = arith.index_cast %add3A_302 : i32 to index
        %swap3A_304 = arith.constant 16 : index
        %swap3A_305 = tpu.vector_load %arg8[%swap3A_303, %swap3A_304] {strides = array<i32>} : memref<400x64xf32, #tpu.memory_space<vmem>>, vector<16xf32>,
        tpu.vector_store %arg8[%swap3A_303, %swap3A_304], %get3A_300 {strides = array<i32>} : memref<400x64xf32, #tpu.memory_space<vmem>>, vector<16xf32>,
        %add3A_306 = arith.constant 32 : i32
        %add3A_307 = arith.addi %squeeze3A_287, %add3A_306 : i32
        %get3A_308 = arith.index_cast %add3A_307 : i32 to index
        %get3A_309 = tpu.vector_load %arg5[%get3A_308] {strides = array<i32>} : memref<14784xf32, #tpu.memory_space<vmem>>, vector<16xf32>,
        %add3A_310 = arith.constant 5 : i32
        %add3A_311 = arith.addi %mul3A_94, %add3A_310 : i32
        %swap3A_312 = arith.index_cast %add3A_311 : i32 to index
        %swap3A_313 = arith.constant 32 : index
        %swap3A_314 = tpu.vector_load %arg8[%swap3A_312, %swap3A_313] {strides = array<i32>} : memref<400x64xf32, #tpu.memory_space<vmem>>, vector<16xf32>,
        tpu.vector_store %arg8[%swap3A_312, %swap3A_313], %get3A_309 {strides = array<i32>} : memref<400x64xf32, #tpu.memory_space<vmem>>, vector<16xf32>,
        %add3A_315 = arith.constant 48 : i32
        %add3A_316 = arith.addi %squeeze3A_287, %add3A_315 : i32
        %get3A_317 = arith.index_cast %add3A_316 : i32 to index
        %get3A_318 = tpu.vector_load %arg5[%get3A_317] {strides = array<i32>} : memref<14784xf32, #tpu.memory_space<vmem>>, vector<16xf32>,
        %add3A_319 = arith.constant 5 : i32
        %add3A_320 = arith.addi %mul3A_94, %add3A_319 : i32
        %swap3A_321 = arith.index_cast %add3A_320 : i32 to index
        %swap3A_322 = arith.constant 48 : index
        %swap3A_323 = tpu.vector_load %arg8[%swap3A_321, %swap3A_322] {strides = array<i32>} : memref<400x64xf32, #tpu.memory_space<vmem>>, vector<16xf32>,
        tpu.vector_store %arg8[%swap3A_321, %swap3A_322], %get3A_318 {strides = array<i32>} : memref<400x64xf32, #tpu.memory_space<vmem>>, vector<16xf32>,
        %slice3A_324 = vector.extract_strided_slice %mul3A_98 {offsets = [6], sizes = [1], strides = [1]} : vector<16xi32> to vector<1xi32>
        %squeeze3A_325 = vector.extract %slice3A_324[0] : i32 from vector<1xi32>
        %add3A_326 = arith.constant 0 : i32
        %add3A_327 = arith.addi %squeeze3A_325, %add3A_326 : i32
        %get3A_328 = arith.index_cast %add3A_327 : i32 to index
        %get3A_329 = tpu.vector_load %arg5[%get3A_328] {strides = array<i32>} : memref<14784xf32, #tpu.memory_space<vmem>>, vector<16xf32>,
        %add3A_330 = arith.constant 6 : i32
        %add3A_331 = arith.addi %mul3A_94, %add3A_330 : i32
        %swap3A_332 = arith.index_cast %add3A_331 : i32 to index
        %swap3A_333 = arith.constant 0 : index
        %swap3A_334 = tpu.vector_load %arg8[%swap3A_332, %swap3A_333] {strides = array<i32>} : memref<400x64xf32, #tpu.memory_space<vmem>>, vector<16xf32>,
        tpu.vector_store %arg8[%swap3A_332, %swap3A_333], %get3A_329 {strides = array<i32>} : memref<400x64xf32, #tpu.memory_space<vmem>>, vector<16xf32>,
        %add3A_335 = arith.constant 16 : i32
        %add3A_336 = arith.addi %squeeze3A_325, %add3A_335 : i32
        %get3A_337 = arith.index_cast %add3A_336 : i32 to index
        %get3A_338 = tpu.vector_load %arg5[%get3A_337] {strides = array<i32>} : memref<14784xf32, #tpu.memory_space<vmem>>, vector<16xf32>,
        %add3A_339 = arith.constant 6 : i32
        %add3A_340 = arith.addi %mul3A_94, %add3A_339 : i32
        %swap3A_341 = arith.index_cast %add3A_340 : i32 to index
        %swap3A_342 = arith.constant 16 : index
        %swap3A_343 = tpu.vector_load %arg8[%swap3A_341, %swap3A_342] {strides = array<i32>} : memref<400x64xf32, #tpu.memory_space<vmem>>, vector<16xf32>,
        tpu.vector_store %arg8[%swap3A_341, %swap3A_342], %get3A_338 {strides = array<i32>} : memref<400x64xf32, #tpu.memory_space<vmem>>, vector<16xf32>,
        %add3A_344 = arith.constant 32 : i32
        %add3A_345 = arith.addi %squeeze3A_325, %add3A_344 : i32
        %get3A_346 = arith.index_cast %add3A_345 : i32 to index
        %get3A_347 = tpu.vector_load %arg5[%get3A_346] {strides = array<i32>} : memref<14784xf32, #tpu.memory_space<vmem>>, vector<16xf32>,
        %add3A_348 = arith.constant 6 : i32
        %add3A_349 = arith.addi %mul3A_94, %add3A_348 : i32
        %swap3A_350 = arith.index_cast %add3A_349 : i32 to index
        %swap3A_351 = arith.constant 32 : index
        %swap3A_352 = tpu.vector_load %arg8[%swap3A_350, %swap3A_351] {strides = array<i32>} : memref<400x64xf32, #tpu.memory_space<vmem>>, vector<16xf32>,
        tpu.vector_store %arg8[%swap3A_350, %swap3A_351], %get3A_347 {strides = array<i32>} : memref<400x64xf32, #tpu.memory_space<vmem>>, vector<16xf32>,
        %add3A_353 = arith.constant 48 : i32
        %add3A_354 = arith.addi %squeeze3A_325, %add3A_353 : i32
        %get3A_355 = arith.index_cast %add3A_354 : i32 to index
        %get3A_356 = tpu.vector_load %arg5[%get3A_355] {strides = array<i32>} : memref<14784xf32, #tpu.memory_space<vmem>>, vector<16xf32>,
        %add3A_357 = arith.constant 6 : i32
        %add3A_358 = arith.addi %mul3A_94, %add3A_357 : i32
        %swap3A_359 = arith.index_cast %add3A_358 : i32 to index
        %swap3A_360 = arith.constant 48 : index
        %swap3A_361 = tpu.vector_load %arg8[%swap3A_359, %swap3A_360] {strides = array<i32>} : memref<400x64xf32, #tpu.memory_space<vmem>>, vector<16xf32>,
        tpu.vector_store %arg8[%swap3A_359, %swap3A_360], %get3A_356 {strides = array<i32>} : memref<400x64xf32, #tpu.memory_space<vmem>>, vector<16xf32>,
        %slice3A_362 = vector.extract_strided_slice %mul3A_98 {offsets = [7], sizes = [1], strides = [1]} : vector<16xi32> to vector<1xi32>
        %squeeze3A_363 = vector.extract %slice3A_362[0] : i32 from vector<1xi32>
        %add3A_364 = arith.constant 0 : i32
        %add3A_365 = arith.addi %squeeze3A_363, %add3A_364 : i32
        %get3A_366 = arith.index_cast %add3A_365 : i32 to index
        %get3A_367 = tpu.vector_load %arg5[%get3A_366] {strides = array<i32>} : memref<14784xf32, #tpu.memory_space<vmem>>, vector<16xf32>,
        %add3A_368 = arith.constant 7 : i32
        %add3A_369 = arith.addi %mul3A_94, %add3A_368 : i32
        %swap3A_370 = arith.index_cast %add3A_369 : i32 to index
        %swap3A_371 = arith.constant 0 : index
        %swap3A_372 = tpu.vector_load %arg8[%swap3A_370, %swap3A_371] {strides = array<i32>} : memref<400x64xf32, #tpu.memory_space<vmem>>, vector<16xf32>,
        tpu.vector_store %arg8[%swap3A_370, %swap3A_371], %get3A_367 {strides = array<i32>} : memref<400x64xf32, #tpu.memory_space<vmem>>, vector<16xf32>,
        %add3A_373 = arith.constant 16 : i32
        %add3A_374 = arith.addi %squeeze3A_363, %add3A_373 : i32
        %get3A_375 = arith.index_cast %add3A_374 : i32 to index
        %get3A_376 = tpu.vector_load %arg5[%get3A_375] {strides = array<i32>} : memref<14784xf32, #tpu.memory_space<vmem>>, vector<16xf32>,
        %add3A_377 = arith.constant 7 : i32
        %add3A_378 = arith.addi %mul3A_94, %add3A_377 : i32
        %swap3A_379 = arith.index_cast %add3A_378 : i32 to index
        %swap3A_380 = arith.constant 16 : index
        %swap3A_381 = tpu.vector_load %arg8[%swap3A_379, %swap3A_380] {strides = array<i32>} : memref<400x64xf32, #tpu.memory_space<vmem>>, vector<16xf32>,
        tpu.vector_store %arg8[%swap3A_379, %swap3A_380], %get3A_376 {strides = array<i32>} : memref<400x64xf32, #tpu.memory_space<vmem>>, vector<16xf32>,
        %add3A_382 = arith.constant 32 : i32
        %add3A_383 = arith.addi %squeeze3A_363, %add3A_382 : i32
        %get3A_384 = arith.index_cast %add3A_383 : i32 to index
        %get3A_385 = tpu.vector_load %arg5[%get3A_384] {strides = array<i32>} : memref<14784xf32, #tpu.memory_space<vmem>>, vector<16xf32>,
        %add3A_386 = arith.constant 7 : i32
        %add3A_387 = arith.addi %mul3A_94, %add3A_386 : i32
        %swap3A_388 = arith.index_cast %add3A_387 : i32 to index
        %swap3A_389 = arith.constant 32 : index
        %swap3A_390 = tpu.vector_load %arg8[%swap3A_388, %swap3A_389] {strides = array<i32>} : memref<400x64xf32, #tpu.memory_space<vmem>>, vector<16xf32>,
        tpu.vector_store %arg8[%swap3A_388, %swap3A_389], %get3A_385 {strides = array<i32>} : memref<400x64xf32, #tpu.memory_space<vmem>>, vector<16xf32>,
        %add3A_391 = arith.constant 48 : i32
        %add3A_392 = arith.addi %squeeze3A_363, %add3A_391 : i32
        %get3A_393 = arith.index_cast %add3A_392 : i32 to index
        %get3A_394 = tpu.vector_load %arg5[%get3A_393] {strides = array<i32>} : memref<14784xf32, #tpu.memory_space<vmem>>, vector<16xf32>,
        %add3A_395 = arith.constant 7 : i32
        %add3A_396 = arith.addi %mul3A_94, %add3A_395 : i32
        %swap3A_397 = arith.index_cast %add3A_396 : i32 to index
        %swap3A_398 = arith.constant 48 : index
        %swap3A_399 = tpu.vector_load %arg8[%swap3A_397, %swap3A_398] {strides = array<i32>} : memref<400x64xf32, #tpu.memory_space<vmem>>, vector<16xf32>,
        tpu.vector_store %arg8[%swap3A_397, %swap3A_398], %get3A_394 {strides = array<i32>} : memref<400x64xf32, #tpu.memory_space<vmem>>, vector<16xf32>,
        %slice3A_400 = vector.extract_strided_slice %mul3A_98 {offsets = [8], sizes = [1], strides = [1]} : vector<16xi32> to vector<1xi32>
        %squeeze3A_401 = vector.extract %slice3A_400[0] : i32 from vector<1xi32>
        %add3A_402 = arith.constant 0 : i32
        %add3A_403 = arith.addi %squeeze3A_401, %add3A_402 : i32
        %get3A_404 = arith.index_cast %add3A_403 : i32 to index
        %get3A_405 = tpu.vector_load %arg5[%get3A_404] {strides = array<i32>} : memref<14784xf32, #tpu.memory_space<vmem>>, vector<16xf32>,
        %add3A_406 = arith.constant 8 : i32
        %add3A_407 = arith.addi %mul3A_94, %add3A_406 : i32
        %swap3A_408 = arith.index_cast %add3A_407 : i32 to index
        %swap3A_409 = arith.constant 0 : index
        %swap3A_410 = tpu.vector_load %arg8[%swap3A_408, %swap3A_409] {strides = array<i32>} : memref<400x64xf32, #tpu.memory_space<vmem>>, vector<16xf32>,
        tpu.vector_store %arg8[%swap3A_408, %swap3A_409], %get3A_405 {strides = array<i32>} : memref<400x64xf32, #tpu.memory_space<vmem>>, vector<16xf32>,
        %add3A_411 = arith.constant 16 : i32
        %add3A_412 = arith.addi %squeeze3A_401, %add3A_411 : i32
        %get3A_413 = arith.index_cast %add3A_412 : i32 to index
        %get3A_414 = tpu.vector_load %arg5[%get3A_413] {strides = array<i32>} : memref<14784xf32, #tpu.memory_space<vmem>>, vector<16xf32>,
        %add3A_415 = arith.constant 8 : i32
        %add3A_416 = arith.addi %mul3A_94, %add3A_415 : i32
        %swap3A_417 = arith.index_cast %add3A_416 : i32 to index
        %swap3A_418 = arith.constant 16 : index
        %swap3A_419 = tpu.vector_load %arg8[%swap3A_417, %swap3A_418] {strides = array<i32>} : memref<400x64xf32, #tpu.memory_space<vmem>>, vector<16xf32>,
        tpu.vector_store %arg8[%swap3A_417, %swap3A_418], %get3A_414 {strides = array<i32>} : memref<400x64xf32, #tpu.memory_space<vmem>>, vector<16xf32>,
        %add3A_420 = arith.constant 32 : i32
        %add3A_421 = arith.addi %squeeze3A_401, %add3A_420 : i32
        %get3A_422 = arith.index_cast %add3A_421 : i32 to index
        %get3A_423 = tpu.vector_load %arg5[%get3A_422] {strides = array<i32>} : memref<14784xf32, #tpu.memory_space<vmem>>, vector<16xf32>,
        %add3A_424 = arith.constant 8 : i32
        %add3A_425 = arith.addi %mul3A_94, %add3A_424 : i32
        %swap3A_426 = arith.index_cast %add3A_425 : i32 to index
        %swap3A_427 = arith.constant 32 : index
        %swap3A_428 = tpu.vector_load %arg8[%swap3A_426, %swap3A_427] {strides = array<i32>} : memref<400x64xf32, #tpu.memory_space<vmem>>, vector<16xf32>,
        tpu.vector_store %arg8[%swap3A_426, %swap3A_427], %get3A_423 {strides = array<i32>} : memref<400x64xf32, #tpu.memory_space<vmem>>, vector<16xf32>,
        %add3A_429 = arith.constant 48 : i32
        %add3A_430 = arith.addi %squeeze3A_401, %add3A_429 : i32
        %get3A_431 = arith.index_cast %add3A_430 : i32 to index
        %get3A_432 = tpu.vector_load %arg5[%get3A_431] {strides = array<i32>} : memref<14784xf32, #tpu.memory_space<vmem>>, vector<16xf32>,
        %add3A_433 = arith.constant 8 : i32
        %add3A_434 = arith.addi %mul3A_94, %add3A_433 : i32
        %swap3A_435 = arith.index_cast %add3A_434 : i32 to index
        %swap3A_436 = arith.constant 48 : index
        %swap3A_437 = tpu.vector_load %arg8[%swap3A_435, %swap3A_436] {strides = array<i32>} : memref<400x64xf32, #tpu.memory_space<vmem>>, vector<16xf32>,
        tpu.vector_store %arg8[%swap3A_435, %swap3A_436], %get3A_432 {strides = array<i32>} : memref<400x64xf32, #tpu.memory_space<vmem>>, vector<16xf32>,
        %slice3A_438 = vector.extract_strided_slice %mul3A_98 {offsets = [9], sizes = [1], strides = [1]} : vector<16xi32> to vector<1xi32>
        %squeeze3A_439 = vector.extract %slice3A_438[0] : i32 from vector<1xi32>
        %add3A_440 = arith.constant 0 : i32
        %add3A_441 = arith.addi %squeeze3A_439, %add3A_440 : i32
        %get3A_442 = arith.index_cast %add3A_441 : i32 to index
        %get3A_443 = tpu.vector_load %arg5[%get3A_442] {strides = array<i32>} : memref<14784xf32, #tpu.memory_space<vmem>>, vector<16xf32>,
        %add3A_444 = arith.constant 9 : i32
        %add3A_445 = arith.addi %mul3A_94, %add3A_444 : i32
        %swap3A_446 = arith.index_cast %add3A_445 : i32 to index
        %swap3A_447 = arith.constant 0 : index
        %swap3A_448 = tpu.vector_load %arg8[%swap3A_446, %swap3A_447] {strides = array<i32>} : memref<400x64xf32, #tpu.memory_space<vmem>>, vector<16xf32>,
        tpu.vector_store %arg8[%swap3A_446, %swap3A_447], %get3A_443 {strides = array<i32>} : memref<400x64xf32, #tpu.memory_space<vmem>>, vector<16xf32>,
        %add3A_449 = arith.constant 16 : i32
        %add3A_450 = arith.addi %squeeze3A_439, %add3A_449 : i32
        %get3A_451 = arith.index_cast %add3A_450 : i32 to index
        %get3A_452 = tpu.vector_load %arg5[%get3A_451] {strides = array<i32>} : memref<14784xf32, #tpu.memory_space<vmem>>, vector<16xf32>,
        %add3A_453 = arith.constant 9 : i32
        %add3A_454 = arith.addi %mul3A_94, %add3A_453 : i32
        %swap3A_455 = arith.index_cast %add3A_454 : i32 to index
        %swap3A_456 = arith.constant 16 : index
        %swap3A_457 = tpu.vector_load %arg8[%swap3A_455, %swap3A_456] {strides = array<i32>} : memref<400x64xf32, #tpu.memory_space<vmem>>, vector<16xf32>,
        tpu.vector_store %arg8[%swap3A_455, %swap3A_456], %get3A_452 {strides = array<i32>} : memref<400x64xf32, #tpu.memory_space<vmem>>, vector<16xf32>,
        %add3A_458 = arith.constant 32 : i32
        %add3A_459 = arith.addi %squeeze3A_439, %add3A_458 : i32
        %get3A_460 = arith.index_cast %add3A_459 : i32 to index
        %get3A_461 = tpu.vector_load %arg5[%get3A_460] {strides = array<i32>} : memref<14784xf32, #tpu.memory_space<vmem>>, vector<16xf32>,
        %add3A_462 = arith.constant 9 : i32
        %add3A_463 = arith.addi %mul3A_94, %add3A_462 : i32
        %swap3A_464 = arith.index_cast %add3A_463 : i32 to index
        %swap3A_465 = arith.constant 32 : index
        %swap3A_466 = tpu.vector_load %arg8[%swap3A_464, %swap3A_465] {strides = array<i32>} : memref<400x64xf32, #tpu.memory_space<vmem>>, vector<16xf32>,
        tpu.vector_store %arg8[%swap3A_464, %swap3A_465], %get3A_461 {strides = array<i32>} : memref<400x64xf32, #tpu.memory_space<vmem>>, vector<16xf32>,
        %add3A_467 = arith.constant 48 : i32
        %add3A_468 = arith.addi %squeeze3A_439, %add3A_467 : i32
        %get3A_469 = arith.index_cast %add3A_468 : i32 to index
        %get3A_470 = tpu.vector_load %arg5[%get3A_469] {strides = array<i32>} : memref<14784xf32, #tpu.memory_space<vmem>>, vector<16xf32>,
        %add3A_471 = arith.constant 9 : i32
        %add3A_472 = arith.addi %mul3A_94, %add3A_471 : i32
        %swap3A_473 = arith.index_cast %add3A_472 : i32 to index
        %swap3A_474 = arith.constant 48 : index
        %swap3A_475 = tpu.vector_load %arg8[%swap3A_473, %swap3A_474] {strides = array<i32>} : memref<400x64xf32, #tpu.memory_space<vmem>>, vector<16xf32>,
        tpu.vector_store %arg8[%swap3A_473, %swap3A_474], %get3A_470 {strides = array<i32>} : memref<400x64xf32, #tpu.memory_space<vmem>>, vector<16xf32>,
        %slice3A_476 = vector.extract_strided_slice %mul3A_98 {offsets = [10], sizes = [1], strides = [1]} : vector<16xi32> to vector<1xi32>
        %squeeze3A_477 = vector.extract %slice3A_476[0] : i32 from vector<1xi32>
        %add3A_478 = arith.constant 0 : i32
        %add3A_479 = arith.addi %squeeze3A_477, %add3A_478 : i32
        %get3A_480 = arith.index_cast %add3A_479 : i32 to index
        %get3A_481 = tpu.vector_load %arg5[%get3A_480] {strides = array<i32>} : memref<14784xf32, #tpu.memory_space<vmem>>, vector<16xf32>,
        %add3A_482 = arith.constant 10 : i32
        %add3A_483 = arith.addi %mul3A_94, %add3A_482 : i32
        %swap3A_484 = arith.index_cast %add3A_483 : i32 to index
        %swap3A_485 = arith.constant 0 : index
        %swap3A_486 = tpu.vector_load %arg8[%swap3A_484, %swap3A_485] {strides = array<i32>} : memref<400x64xf32, #tpu.memory_space<vmem>>, vector<16xf32>,
        tpu.vector_store %arg8[%swap3A_484, %swap3A_485], %get3A_481 {strides = array<i32>} : memref<400x64xf32, #tpu.memory_space<vmem>>, vector<16xf32>,
        %add3A_487 = arith.constant 16 : i32
        %add3A_488 = arith.addi %squeeze3A_477, %add3A_487 : i32
        %get3A_489 = arith.index_cast %add3A_488 : i32 to index
        %get3A_490 = tpu.vector_load %arg5[%get3A_489] {strides = array<i32>} : memref<14784xf32, #tpu.memory_space<vmem>>, vector<16xf32>,
        %add3A_491 = arith.constant 10 : i32
        %add3A_492 = arith.addi %mul3A_94, %add3A_491 : i32
        %swap3A_493 = arith.index_cast %add3A_492 : i32 to index
        %swap3A_494 = arith.constant 16 : index
        %swap3A_495 = tpu.vector_load %arg8[%swap3A_493, %swap3A_494] {strides = array<i32>} : memref<400x64xf32, #tpu.memory_space<vmem>>, vector<16xf32>,
        tpu.vector_store %arg8[%swap3A_493, %swap3A_494], %get3A_490 {strides = array<i32>} : memref<400x64xf32, #tpu.memory_space<vmem>>, vector<16xf32>,
        %add3A_496 = arith.constant 32 : i32
        %add3A_497 = arith.addi %squeeze3A_477, %add3A_496 : i32
        %get3A_498 = arith.index_cast %add3A_497 : i32 to index
        %get3A_499 = tpu.vector_load %arg5[%get3A_498] {strides = array<i32>} : memref<14784xf32, #tpu.memory_space<vmem>>, vector<16xf32>,
        %add3A_500 = arith.constant 10 : i32
        %add3A_501 = arith.addi %mul3A_94, %add3A_500 : i32
        %swap3A_502 = arith.index_cast %add3A_501 : i32 to index
        %swap3A_503 = arith.constant 32 : index
        %swap3A_504 = tpu.vector_load %arg8[%swap3A_502, %swap3A_503] {strides = array<i32>} : memref<400x64xf32, #tpu.memory_space<vmem>>, vector<16xf32>,
        tpu.vector_store %arg8[%swap3A_502, %swap3A_503], %get3A_499 {strides = array<i32>} : memref<400x64xf32, #tpu.memory_space<vmem>>, vector<16xf32>,
        %add3A_505 = arith.constant 48 : i32
        %add3A_506 = arith.addi %squeeze3A_477, %add3A_505 : i32
        %get3A_507 = arith.index_cast %add3A_506 : i32 to index
        %get3A_508 = tpu.vector_load %arg5[%get3A_507] {strides = array<i32>} : memref<14784xf32, #tpu.memory_space<vmem>>, vector<16xf32>,
        %add3A_509 = arith.constant 10 : i32
        %add3A_510 = arith.addi %mul3A_94, %add3A_509 : i32
        %swap3A_511 = arith.index_cast %add3A_510 : i32 to index
        %swap3A_512 = arith.constant 48 : index
        %swap3A_513 = tpu.vector_load %arg8[%swap3A_511, %swap3A_512] {strides = array<i32>} : memref<400x64xf32, #tpu.memory_space<vmem>>, vector<16xf32>,
        tpu.vector_store %arg8[%swap3A_511, %swap3A_512], %get3A_508 {strides = array<i32>} : memref<400x64xf32, #tpu.memory_space<vmem>>, vector<16xf32>,
        %slice3A_514 = vector.extract_strided_slice %mul3A_98 {offsets = [11], sizes = [1], strides = [1]} : vector<16xi32> to vector<1xi32>
        %squeeze3A_515 = vector.extract %slice3A_514[0] : i32 from vector<1xi32>
        %add3A_516 = arith.constant 0 : i32
        %add3A_517 = arith.addi %squeeze3A_515, %add3A_516 : i32
        %get3A_518 = arith.index_cast %add3A_517 : i32 to index
        %get3A_519 = tpu.vector_load %arg5[%get3A_518] {strides = array<i32>} : memref<14784xf32, #tpu.memory_space<vmem>>, vector<16xf32>,
        %add3A_520 = arith.constant 11 : i32
        %add3A_521 = arith.addi %mul3A_94, %add3A_520 : i32
        %swap3A_522 = arith.index_cast %add3A_521 : i32 to index
        %swap3A_523 = arith.constant 0 : index
        %swap3A_524 = tpu.vector_load %arg8[%swap3A_522, %swap3A_523] {strides = array<i32>} : memref<400x64xf32, #tpu.memory_space<vmem>>, vector<16xf32>,
        tpu.vector_store %arg8[%swap3A_522, %swap3A_523], %get3A_519 {strides = array<i32>} : memref<400x64xf32, #tpu.memory_space<vmem>>, vector<16xf32>,
        %add3A_525 = arith.constant 16 : i32
        %add3A_526 = arith.addi %squeeze3A_515, %add3A_525 : i32
        %get3A_527 = arith.index_cast %add3A_526 : i32 to index
        %get3A_528 = tpu.vector_load %arg5[%get3A_527] {strides = array<i32>} : memref<14784xf32, #tpu.memory_space<vmem>>, vector<16xf32>,
        %add3A_529 = arith.constant 11 : i32
        %add3A_530 = arith.addi %mul3A_94, %add3A_529 : i32
        %swap3A_531 = arith.index_cast %add3A_530 : i32 to index
        %swap3A_532 = arith.constant 16 : index
        %swap3A_533 = tpu.vector_load %arg8[%swap3A_531, %swap3A_532] {strides = array<i32>} : memref<400x64xf32, #tpu.memory_space<vmem>>, vector<16xf32>,
        tpu.vector_store %arg8[%swap3A_531, %swap3A_532], %get3A_528 {strides = array<i32>} : memref<400x64xf32, #tpu.memory_space<vmem>>, vector<16xf32>,
        %add3A_534 = arith.constant 32 : i32
        %add3A_535 = arith.addi %squeeze3A_515, %add3A_534 : i32
        %get3A_536 = arith.index_cast %add3A_535 : i32 to index
        %get3A_537 = tpu.vector_load %arg5[%get3A_536] {strides = array<i32>} : memref<14784xf32, #tpu.memory_space<vmem>>, vector<16xf32>,
        %add3A_538 = arith.constant 11 : i32
        %add3A_539 = arith.addi %mul3A_94, %add3A_538 : i32
        %swap3A_540 = arith.index_cast %add3A_539 : i32 to index
        %swap3A_541 = arith.constant 32 : index
        %swap3A_542 = tpu.vector_load %arg8[%swap3A_540, %swap3A_541] {strides = array<i32>} : memref<400x64xf32, #tpu.memory_space<vmem>>, vector<16xf32>,
        tpu.vector_store %arg8[%swap3A_540, %swap3A_541], %get3A_537 {strides = array<i32>} : memref<400x64xf32, #tpu.memory_space<vmem>>, vector<16xf32>,
        %add3A_543 = arith.constant 48 : i32
        %add3A_544 = arith.addi %squeeze3A_515, %add3A_543 : i32
        %get3A_545 = arith.index_cast %add3A_544 : i32 to index
        %get3A_546 = tpu.vector_load %arg5[%get3A_545] {strides = array<i32>} : memref<14784xf32, #tpu.memory_space<vmem>>, vector<16xf32>,
        %add3A_547 = arith.constant 11 : i32
        %add3A_548 = arith.addi %mul3A_94, %add3A_547 : i32
        %swap3A_549 = arith.index_cast %add3A_548 : i32 to index
        %swap3A_550 = arith.constant 48 : index
        %swap3A_551 = tpu.vector_load %arg8[%swap3A_549, %swap3A_550] {strides = array<i32>} : memref<400x64xf32, #tpu.memory_space<vmem>>, vector<16xf32>,
        tpu.vector_store %arg8[%swap3A_549, %swap3A_550], %get3A_546 {strides = array<i32>} : memref<400x64xf32, #tpu.memory_space<vmem>>, vector<16xf32>,
        %slice3A_552 = vector.extract_strided_slice %mul3A_98 {offsets = [12], sizes = [1], strides = [1]} : vector<16xi32> to vector<1xi32>
        %squeeze3A_553 = vector.extract %slice3A_552[0] : i32 from vector<1xi32>
        %add3A_554 = arith.constant 0 : i32
        %add3A_555 = arith.addi %squeeze3A_553, %add3A_554 : i32
        %get3A_556 = arith.index_cast %add3A_555 : i32 to index
        %get3A_557 = tpu.vector_load %arg5[%get3A_556] {strides = array<i32>} : memref<14784xf32, #tpu.memory_space<vmem>>, vector<16xf32>,
        %add3A_558 = arith.constant 12 : i32
        %add3A_559 = arith.addi %mul3A_94, %add3A_558 : i32
        %swap3A_560 = arith.index_cast %add3A_559 : i32 to index
        %swap3A_561 = arith.constant 0 : index
        %swap3A_562 = tpu.vector_load %arg8[%swap3A_560, %swap3A_561] {strides = array<i32>} : memref<400x64xf32, #tpu.memory_space<vmem>>, vector<16xf32>,
        tpu.vector_store %arg8[%swap3A_560, %swap3A_561], %get3A_557 {strides = array<i32>} : memref<400x64xf32, #tpu.memory_space<vmem>>, vector<16xf32>,
        %add3A_563 = arith.constant 16 : i32
        %add3A_564 = arith.addi %squeeze3A_553, %add3A_563 : i32
        %get3A_565 = arith.index_cast %add3A_564 : i32 to index
        %get3A_566 = tpu.vector_load %arg5[%get3A_565] {strides = array<i32>} : memref<14784xf32, #tpu.memory_space<vmem>>, vector<16xf32>,
        %add3A_567 = arith.constant 12 : i32
        %add3A_568 = arith.addi %mul3A_94, %add3A_567 : i32
        %swap3A_569 = arith.index_cast %add3A_568 : i32 to index
        %swap3A_570 = arith.constant 16 : index
        %swap3A_571 = tpu.vector_load %arg8[%swap3A_569, %swap3A_570] {strides = array<i32>} : memref<400x64xf32, #tpu.memory_space<vmem>>, vector<16xf32>,
        tpu.vector_store %arg8[%swap3A_569, %swap3A_570], %get3A_566 {strides = array<i32>} : memref<400x64xf32, #tpu.memory_space<vmem>>, vector<16xf32>,
        %add3A_572 = arith.constant 32 : i32
        %add3A_573 = arith.addi %squeeze3A_553, %add3A_572 : i32
        %get3A_574 = arith.index_cast %add3A_573 : i32 to index
        %get3A_575 = tpu.vector_load %arg5[%get3A_574] {strides = array<i32>} : memref<14784xf32, #tpu.memory_space<vmem>>, vector<16xf32>,
        %add3A_576 = arith.constant 12 : i32
        %add3A_577 = arith.addi %mul3A_94, %add3A_576 : i32
        %swap3A_578 = arith.index_cast %add3A_577 : i32 to index
        %swap3A_579 = arith.constant 32 : index
        %swap3A_580 = tpu.vector_load %arg8[%swap3A_578, %swap3A_579] {strides = array<i32>} : memref<400x64xf32, #tpu.memory_space<vmem>>, vector<16xf32>,
        tpu.vector_store %arg8[%swap3A_578, %swap3A_579], %get3A_575 {strides = array<i32>} : memref<400x64xf32, #tpu.memory_space<vmem>>, vector<16xf32>,
        %add3A_581 = arith.constant 48 : i32
        %add3A_582 = arith.addi %squeeze3A_553, %add3A_581 : i32
        %get3A_583 = arith.index_cast %add3A_582 : i32 to index
        %get3A_584 = tpu.vector_load %arg5[%get3A_583] {strides = array<i32>} : memref<14784xf32, #tpu.memory_space<vmem>>, vector<16xf32>,
        %add3A_585 = arith.constant 12 : i32
        %add3A_586 = arith.addi %mul3A_94, %add3A_585 : i32
        %swap3A_587 = arith.index_cast %add3A_586 : i32 to index
        %swap3A_588 = arith.constant 48 : index
        %swap3A_589 = tpu.vector_load %arg8[%swap3A_587, %swap3A_588] {strides = array<i32>} : memref<400x64xf32, #tpu.memory_space<vmem>>, vector<16xf32>,
        tpu.vector_store %arg8[%swap3A_587, %swap3A_588], %get3A_584 {strides = array<i32>} : memref<400x64xf32, #tpu.memory_space<vmem>>, vector<16xf32>,
        %slice3A_590 = vector.extract_strided_slice %mul3A_98 {offsets = [13], sizes = [1], strides = [1]} : vector<16xi32> to vector<1xi32>
        %squeeze3A_591 = vector.extract %slice3A_590[0] : i32 from vector<1xi32>
        %add3A_592 = arith.constant 0 : i32
        %add3A_593 = arith.addi %squeeze3A_591, %add3A_592 : i32
        %get3A_594 = arith.index_cast %add3A_593 : i32 to index
        %get3A_595 = tpu.vector_load %arg5[%get3A_594] {strides = array<i32>} : memref<14784xf32, #tpu.memory_space<vmem>>, vector<16xf32>,
        %add3A_596 = arith.constant 13 : i32
        %add3A_597 = arith.addi %mul3A_94, %add3A_596 : i32
        %swap3A_598 = arith.index_cast %add3A_597 : i32 to index
        %swap3A_599 = arith.constant 0 : index
        %swap3A_600 = tpu.vector_load %arg8[%swap3A_598, %swap3A_599] {strides = array<i32>} : memref<400x64xf32, #tpu.memory_space<vmem>>, vector<16xf32>,
        tpu.vector_store %arg8[%swap3A_598, %swap3A_599], %get3A_595 {strides = array<i32>} : memref<400x64xf32, #tpu.memory_space<vmem>>, vector<16xf32>,
        %add3A_601 = arith.constant 16 : i32
        %add3A_602 = arith.addi %squeeze3A_591, %add3A_601 : i32
        %get3A_603 = arith.index_cast %add3A_602 : i32 to index
        %get3A_604 = tpu.vector_load %arg5[%get3A_603] {strides = array<i32>} : memref<14784xf32, #tpu.memory_space<vmem>>, vector<16xf32>,
        %add3A_605 = arith.constant 13 : i32
        %add3A_606 = arith.addi %mul3A_94, %add3A_605 : i32
        %swap3A_607 = arith.index_cast %add3A_606 : i32 to index
        %swap3A_608 = arith.constant 16 : index
        %swap3A_609 = tpu.vector_load %arg8[%swap3A_607, %swap3A_608] {strides = array<i32>} : memref<400x64xf32, #tpu.memory_space<vmem>>, vector<16xf32>,
        tpu.vector_store %arg8[%swap3A_607, %swap3A_608], %get3A_604 {strides = array<i32>} : memref<400x64xf32, #tpu.memory_space<vmem>>, vector<16xf32>,
        %add3A_610 = arith.constant 32 : i32
        %add3A_611 = arith.addi %squeeze3A_591, %add3A_610 : i32
        %get3A_612 = arith.index_cast %add3A_611 : i32 to index
        %get3A_613 = tpu.vector_load %arg5[%get3A_612] {strides = array<i32>} : memref<14784xf32, #tpu.memory_space<vmem>>, vector<16xf32>,
        %add3A_614 = arith.constant 13 : i32
        %add3A_615 = arith.addi %mul3A_94, %add3A_614 : i32
        %swap3A_616 = arith.index_cast %add3A_615 : i32 to index
        %swap3A_617 = arith.constant 32 : index
        %swap3A_618 = tpu.vector_load %arg8[%swap3A_616, %swap3A_617] {strides = array<i32>} : memref<400x64xf32, #tpu.memory_space<vmem>>, vector<16xf32>,
        tpu.vector_store %arg8[%swap3A_616, %swap3A_617], %get3A_613 {strides = array<i32>} : memref<400x64xf32, #tpu.memory_space<vmem>>, vector<16xf32>,
        %add3A_619 = arith.constant 48 : i32
        %add3A_620 = arith.addi %squeeze3A_591, %add3A_619 : i32
        %get3A_621 = arith.index_cast %add3A_620 : i32 to index
        %get3A_622 = tpu.vector_load %arg5[%get3A_621] {strides = array<i32>} : memref<14784xf32, #tpu.memory_space<vmem>>, vector<16xf32>,
        %add3A_623 = arith.constant 13 : i32
        %add3A_624 = arith.addi %mul3A_94, %add3A_623 : i32
        %swap3A_625 = arith.index_cast %add3A_624 : i32 to index
        %swap3A_626 = arith.constant 48 : index
        %swap3A_627 = tpu.vector_load %arg8[%swap3A_625, %swap3A_626] {strides = array<i32>} : memref<400x64xf32, #tpu.memory_space<vmem>>, vector<16xf32>,
        tpu.vector_store %arg8[%swap3A_625, %swap3A_626], %get3A_622 {strides = array<i32>} : memref<400x64xf32, #tpu.memory_space<vmem>>, vector<16xf32>,
        %slice3A_628 = vector.extract_strided_slice %mul3A_98 {offsets = [14], sizes = [1], strides = [1]} : vector<16xi32> to vector<1xi32>
        %squeeze3A_629 = vector.extract %slice3A_628[0] : i32 from vector<1xi32>
        %add3A_630 = arith.constant 0 : i32
        %add3A_631 = arith.addi %squeeze3A_629, %add3A_630 : i32
        %get3A_632 = arith.index_cast %add3A_631 : i32 to index
        %get3A_633 = tpu.vector_load %arg5[%get3A_632] {strides = array<i32>} : memref<14784xf32, #tpu.memory_space<vmem>>, vector<16xf32>,
        %add3A_634 = arith.constant 14 : i32
        %add3A_635 = arith.addi %mul3A_94, %add3A_634 : i32
        %swap3A_636 = arith.index_cast %add3A_635 : i32 to index
        %swap3A_637 = arith.constant 0 : index
        %swap3A_638 = tpu.vector_load %arg8[%swap3A_636, %swap3A_637] {strides = array<i32>} : memref<400x64xf32, #tpu.memory_space<vmem>>, vector<16xf32>,
        tpu.vector_store %arg8[%swap3A_636, %swap3A_637], %get3A_633 {strides = array<i32>} : memref<400x64xf32, #tpu.memory_space<vmem>>, vector<16xf32>,
        %add3A_639 = arith.constant 16 : i32
        %add3A_640 = arith.addi %squeeze3A_629, %add3A_639 : i32
        %get3A_641 = arith.index_cast %add3A_640 : i32 to index
        %get3A_642 = tpu.vector_load %arg5[%get3A_641] {strides = array<i32>} : memref<14784xf32, #tpu.memory_space<vmem>>, vector<16xf32>,
        %add3A_643 = arith.constant 14 : i32
        %add3A_644 = arith.addi %mul3A_94, %add3A_643 : i32
        %swap3A_645 = arith.index_cast %add3A_644 : i32 to index
        %swap3A_646 = arith.constant 16 : index
        %swap3A_647 = tpu.vector_load %arg8[%swap3A_645, %swap3A_646] {strides = array<i32>} : memref<400x64xf32, #tpu.memory_space<vmem>>, vector<16xf32>,
        tpu.vector_store %arg8[%swap3A_645, %swap3A_646], %get3A_642 {strides = array<i32>} : memref<400x64xf32, #tpu.memory_space<vmem>>, vector<16xf32>,
        %add3A_648 = arith.constant 32 : i32
        %add3A_649 = arith.addi %squeeze3A_629, %add3A_648 : i32
        %get3A_650 = arith.index_cast %add3A_649 : i32 to index
        %get3A_651 = tpu.vector_load %arg5[%get3A_650] {strides = array<i32>} : memref<14784xf32, #tpu.memory_space<vmem>>, vector<16xf32>,
        %add3A_652 = arith.constant 14 : i32
        %add3A_653 = arith.addi %mul3A_94, %add3A_652 : i32
        %swap3A_654 = arith.index_cast %add3A_653 : i32 to index
        %swap3A_655 = arith.constant 32 : index
        %swap3A_656 = tpu.vector_load %arg8[%swap3A_654, %swap3A_655] {strides = array<i32>} : memref<400x64xf32, #tpu.memory_space<vmem>>, vector<16xf32>,
        tpu.vector_store %arg8[%swap3A_654, %swap3A_655], %get3A_651 {strides = array<i32>} : memref<400x64xf32, #tpu.memory_space<vmem>>, vector<16xf32>,
        %add3A_657 = arith.constant 48 : i32
        %add3A_658 = arith.addi %squeeze3A_629, %add3A_657 : i32
        %get3A_659 = arith.index_cast %add3A_658 : i32 to index
        %get3A_660 = tpu.vector_load %arg5[%get3A_659] {strides = array<i32>} : memref<14784xf32, #tpu.memory_space<vmem>>, vector<16xf32>,
        %add3A_661 = arith.constant 14 : i32
        %add3A_662 = arith.addi %mul3A_94, %add3A_661 : i32
        %swap3A_663 = arith.index_cast %add3A_662 : i32 to index
        %swap3A_664 = arith.constant 48 : index
        %swap3A_665 = tpu.vector_load %arg8[%swap3A_663, %swap3A_664] {strides = array<i32>} : memref<400x64xf32, #tpu.memory_space<vmem>>, vector<16xf32>,
        tpu.vector_store %arg8[%swap3A_663, %swap3A_664], %get3A_660 {strides = array<i32>} : memref<400x64xf32, #tpu.memory_space<vmem>>, vector<16xf32>,
        %slice3A_666 = vector.extract_strided_slice %mul3A_98 {offsets = [15], sizes = [1], strides = [1]} : vector<16xi32> to vector<1xi32>
        %squeeze3A_667 = vector.extract %slice3A_666[0] : i32 from vector<1xi32>
        %add3A_668 = arith.constant 0 : i32
        %add3A_669 = arith.addi %squeeze3A_667, %add3A_668 : i32
        %get3A_670 = arith.index_cast %add3A_669 : i32 to index
        %get3A_671 = tpu.vector_load %arg5[%get3A_670] {strides = array<i32>} : memref<14784xf32, #tpu.memory_space<vmem>>, vector<16xf32>,
        %add3A_672 = arith.constant 15 : i32
        %add3A_673 = arith.addi %mul3A_94, %add3A_672 : i32
        %swap3A_674 = arith.index_cast %add3A_673 : i32 to index
        %swap3A_675 = arith.constant 0 : index
        %swap3A_676 = tpu.vector_load %arg8[%swap3A_674, %swap3A_675] {strides = array<i32>} : memref<400x64xf32, #tpu.memory_space<vmem>>, vector<16xf32>,
        tpu.vector_store %arg8[%swap3A_674, %swap3A_675], %get3A_671 {strides = array<i32>} : memref<400x64xf32, #tpu.memory_space<vmem>>, vector<16xf32>,
        %add3A_677 = arith.constant 16 : i32
        %add3A_678 = arith.addi %squeeze3A_667, %add3A_677 : i32
        %get3A_679 = arith.index_cast %add3A_678 : i32 to index
        %get3A_680 = tpu.vector_load %arg5[%get3A_679] {strides = array<i32>} : memref<14784xf32, #tpu.memory_space<vmem>>, vector<16xf32>,
        %add3A_681 = arith.constant 15 : i32
        %add3A_682 = arith.addi %mul3A_94, %add3A_681 : i32
        %swap3A_683 = arith.index_cast %add3A_682 : i32 to index
        %swap3A_684 = arith.constant 16 : index
        %swap3A_685 = tpu.vector_load %arg8[%swap3A_683, %swap3A_684] {strides = array<i32>} : memref<400x64xf32, #tpu.memory_space<vmem>>, vector<16xf32>,
        tpu.vector_store %arg8[%swap3A_683, %swap3A_684], %get3A_680 {strides = array<i32>} : memref<400x64xf32, #tpu.memory_space<vmem>>, vector<16xf32>,
        %add3A_686 = arith.constant 32 : i32
        %add3A_687 = arith.addi %squeeze3A_667, %add3A_686 : i32
        %get3A_688 = arith.index_cast %add3A_687 : i32 to index
        %get3A_689 = tpu.vector_load %arg5[%get3A_688] {strides = array<i32>} : memref<14784xf32, #tpu.memory_space<vmem>>, vector<16xf32>,
        %add3A_690 = arith.constant 15 : i32
        %add3A_691 = arith.addi %mul3A_94, %add3A_690 : i32
        %swap3A_692 = arith.index_cast %add3A_691 : i32 to index
        %swap3A_693 = arith.constant 32 : index
        %swap3A_694 = tpu.vector_load %arg8[%swap3A_692, %swap3A_693] {strides = array<i32>} : memref<400x64xf32, #tpu.memory_space<vmem>>, vector<16xf32>,
        tpu.vector_store %arg8[%swap3A_692, %swap3A_693], %get3A_689 {strides = array<i32>} : memref<400x64xf32, #tpu.memory_space<vmem>>, vector<16xf32>,
        %add3A_695 = arith.constant 48 : i32
        %add3A_696 = arith.addi %squeeze3A_667, %add3A_695 : i32
        %get3A_697 = arith.index_cast %add3A_696 : i32 to index
        %get3A_698 = tpu.vector_load %arg5[%get3A_697] {strides = array<i32>} : memref<14784xf32, #tpu.memory_space<vmem>>, vector<16xf32>,
        %add3A_699 = arith.constant 15 : i32
        %add3A_700 = arith.addi %mul3A_94, %add3A_699 : i32
        %swap3A_701 = arith.index_cast %add3A_700 : i32 to index
        %swap3A_702 = arith.constant 48 : index
        %swap3A_703 = tpu.vector_load %arg8[%swap3A_701, %swap3A_702] {strides = array<i32>} : memref<400x64xf32, #tpu.memory_space<vmem>>, vector<16xf32>,
        tpu.vector_store %arg8[%swap3A_701, %swap3A_702], %get3A_698 {strides = array<i32>} : memref<400x64xf32, #tpu.memory_space<vmem>>, vector<16xf32>,
      }
      %scan3A_43 = arith.constant 25 : i32
      %mul3A_44 = arith.constant 400 : i32
      %mul3A_45 = arith.muli %add3A_31, %mul3A_44 : i32
      %add3A_46 = arith.addi %mul3A_2, %mul3A_45 : i32
      %dma_start3A_47 = arith.constant 0 : i32
      %dma_start3A_48 = tpu.memref_slice %arg4[%add3A_46, %dma_start3A_47] : memref<3276800x64xf32, #tpu.memory_space<hbm>> -> memref<400x64xf32, #tpu.memory_space<hbm>>
      %dma_start3A_49 = arith.constant 0 : i32
      %dma_start3A_50 = tpu.memref_slice %arg4[%add3A_46, %dma_start3A_49] : memref<3276800x64xf32, #tpu.memory_space<hbm>> -> memref<400x64xf32, #tpu.memory_space<hbm>>
      tpu.enqueue_dma source(%arg8 : memref<400x64xf32, #tpu.memory_space<vmem>>) target(%dma_start3A_50 : memref<400x64xf32, #tpu.memory_space<hbm>>) target_semaphore(%arg13 : memref<!tpu.dma_semaphore, #tpu.memory_space<semaphore_mem>>)
      %add3A_51 = arith.constant 2 : i32
      %add3A_52 = arith.addi %add3A_31, %add3A_51 : i32
      %lt3A = arith.constant 256 : i32
      %lt3A_53 = arith.cmpi slt, %add3A_52, %lt3A : i32
      %convert_element_type3A_54 = arith.extui %lt3A_53 : i1 to i32
      %cond3A_55 = arith.constant 0 : i32
      %cond3A_56 = arith.cmpi ne, %convert_element_type3A_54, %cond3A_55 : i32
      scf.if %cond3A_56 {
        %add3A_88 = arith.constant 2 : i32
        %add3A_89 = arith.addi %add3A_31, %add3A_88 : i32
        %mul3A_90 = arith.constant 400 : i32
        %mul3A_91 = arith.muli %add3A_89, %mul3A_90 : i32
        %add3A_92 = arith.addi %mul3A_2, %mul3A_91 : i32
        %dma_start3A_93 = tpu.memref_slice %arg3[%add3A_92] : memref<3276800xi32, #tpu.memory_space<hbm>> -> memref<400xi32, #tpu.memory_space<hbm>>
        %dma_start3A_94 = tpu.memref_slice %arg3[%add3A_92] : memref<3276800xi32, #tpu.memory_space<hbm>> -> memref<400xi32, #tpu.memory_space<hbm>>
        tpu.enqueue_dma source(%dma_start3A_94 : memref<400xi32, #tpu.memory_space<hbm>>) target(%arg6 : memref<400xi32, #tpu.memory_space<vmem>>) target_semaphore(%arg11 : memref<!tpu.dma_semaphore, #tpu.memory_space<semaphore_mem>>)
      } else {
      }
      %add3A_57 = arith.constant 1 : i32
      %add3A_58 = arith.addi %add3A_29, %add3A_57 : i32
      %ge3A_59 = arith.constant 2 : i32
      %ge3A_60 = arith.cmpi sge, %add3A_58, %ge3A_59 : i32
      %convert_element_type3A_61 = arith.extui %ge3A_60 : i1 to i32
      %cond3A_62 = arith.constant 0 : i32
      %cond3A_63 = arith.cmpi ne, %convert_element_type3A_61, %cond3A_62 : i32
      scf.if %cond3A_63 {
        %sub3A = arith.constant 2 : i32
        %sub3A_88 = arith.subi %add3A_58, %sub3A : i32
        %mul3A_89 = arith.constant 400 : i32
        %mul3A_90 = arith.muli %sub3A_88, %mul3A_89 : i32
        %add3A_91 = arith.addi %mul3A_2, %mul3A_90 : i32
        %dma_wait3A_92 = arith.constant 0 : i32
        %dma_wait3A_93 = tpu.memref_slice %arg4[%add3A_91, %dma_wait3A_92] : memref<3276800x64xf32, #tpu.memory_space<hbm>> -> memref<400x64xf32, #tpu.memory_space<hbm>>
        %dma_wait3A_94 = arith.constant 0 : i32
        %dma_wait3A_95 = tpu.memref_slice %arg4[%add3A_91, %dma_wait3A_94] : memref<3276800x64xf32, #tpu.memory_space<hbm>> -> memref<400x64xf32, #tpu.memory_space<hbm>>
        tpu.wait_dma2 semaphore(%arg14 : memref<!tpu.dma_semaphore, #tpu.memory_space<semaphore_mem>>) src(%arg9 : memref<400x64xf32, #tpu.memory_space<vmem>>) dst(%dma_wait3A_95 : memref<400x64xf32, #tpu.memory_space<hbm>>)
      } else {
      }
      %mul3A_64 = arith.constant 400 : i32
      %mul3A_65 = arith.muli %add3A_58, %mul3A_64 : i32
      %add3A_66 = arith.addi %mul3A_2, %mul3A_65 : i32
      %dma_wait3A_67 = tpu.memref_slice %arg3[%add3A_66] : memref<3276800xi32, #tpu.memory_space<hbm>> -> memref<400xi32, #tpu.memory_space<hbm>>
      %dma_wait3A_68 = tpu.memref_slice %arg3[%add3A_66] : memref<3276800xi32, #tpu.memory_space<hbm>> -> memref<400xi32, #tpu.memory_space<hbm>>
      tpu.wait_dma2 semaphore(%arg12 : memref<!tpu.dma_semaphore, #tpu.memory_space<semaphore_mem>>) src(%dma_wait3A_68 : memref<400xi32, #tpu.memory_space<hbm>>) dst(%arg7 : memref<400xi32, #tpu.memory_space<vmem>>)
      %scan3A_69 = arith.constant 0 : i32
      %scan3A_70 = arith.constant 25 : i32
      %scan3A_71 = arith.addi %scan3A_69, %scan3A_70 : i32
      %scan3A_72 = arith.constant 1 : i32
      scf.for %scan3A_88 = %scan3A_69 to %scan3A_71 step %scan3A_72  : i32 {
        %mul3A_89 = arith.constant 1 : i32
        %mul3A_90 = arith.muli %scan3A_88, %mul3A_89 : i32
        %add3A_91 = arith.constant 0 : i32
        %add3A_92 = arith.addi %add3A_91, %mul3A_90 : i32
        %mul3A_93 = arith.constant 16 : i32
        %mul3A_94 = arith.muli %add3A_92, %mul3A_93 : i32
        %get3A = arith.index_cast %mul3A_94 : i32 to index
        %get3A_95 = tpu.vector_load %arg7[%get3A] {strides = array<i32>} : memref<400xi32, #tpu.memory_space<vmem>>, vector<16xi32>,
        %mul3A_96 = arith.constant 64 : i32
        %mul3A_97 = vector.broadcast %mul3A_96 : i32 to vector<16xi32>
        %mul3A_98 = arith.muli %get3A_95, %mul3A_97 : vector<16xi32>
        %slice3A = vector.extract_strided_slice %mul3A_98 {offsets = [0], sizes = [1], strides = [1]} : vector<16xi32> to vector<1xi32>
        %squeeze3A = vector.extract %slice3A[0] : i32 from vector<1xi32>
        %add3A_99 = arith.constant 0 : i32
        %add3A_100 = arith.addi %squeeze3A, %add3A_99 : i32
        %get3A_101 = arith.index_cast %add3A_100 : i32 to index
        %get3A_102 = tpu.vector_load %arg5[%get3A_101] {strides = array<i32>} : memref<14784xf32, #tpu.memory_space<vmem>>, vector<16xf32>,
        %add3A_103 = arith.constant 0 : i32
        %add3A_104 = arith.addi %mul3A_94, %add3A_103 : i32
        %swap3A = arith.index_cast %add3A_104 : i32 to index
        %swap3A_105 = arith.constant 0 : index
        %swap3A_106 = tpu.vector_load %arg9[%swap3A, %swap3A_105] {strides = array<i32>} : memref<400x64xf32, #tpu.memory_space<vmem>>, vector<16xf32>,
        tpu.vector_store %arg9[%swap3A, %swap3A_105], %get3A_102 {strides = array<i32>} : memref<400x64xf32, #tpu.memory_space<vmem>>, vector<16xf32>,
        %add3A_107 = arith.constant 16 : i32
        %add3A_108 = arith.addi %squeeze3A, %add3A_107 : i32
        %get3A_109 = arith.index_cast %add3A_108 : i32 to index
        %get3A_110 = tpu.vector_load %arg5[%get3A_109] {strides = array<i32>} : memref<14784xf32, #tpu.memory_space<vmem>>, vector<16xf32>,
        %add3A_111 = arith.constant 0 : i32
        %add3A_112 = arith.addi %mul3A_94, %add3A_111 : i32
        %swap3A_113 = arith.index_cast %add3A_112 : i32 to index
        %swap3A_114 = arith.constant 16 : index
        %swap3A_115 = tpu.vector_load %arg9[%swap3A_113, %swap3A_114] {strides = array<i32>} : memref<400x64xf32, #tpu.memory_space<vmem>>, vector<16xf32>,
        tpu.vector_store %arg9[%swap3A_113, %swap3A_114], %get3A_110 {strides = array<i32>} : memref<400x64xf32, #tpu.memory_space<vmem>>, vector<16xf32>,
        %add3A_116 = arith.constant 32 : i32
        %add3A_117 = arith.addi %squeeze3A, %add3A_116 : i32
        %get3A_118 = arith.index_cast %add3A_117 : i32 to index
        %get3A_119 = tpu.vector_load %arg5[%get3A_118] {strides = array<i32>} : memref<14784xf32, #tpu.memory_space<vmem>>, vector<16xf32>,
        %add3A_120 = arith.constant 0 : i32
        %add3A_121 = arith.addi %mul3A_94, %add3A_120 : i32
        %swap3A_122 = arith.index_cast %add3A_121 : i32 to index
        %swap3A_123 = arith.constant 32 : index
        %swap3A_124 = tpu.vector_load %arg9[%swap3A_122, %swap3A_123] {strides = array<i32>} : memref<400x64xf32, #tpu.memory_space<vmem>>, vector<16xf32>,
        tpu.vector_store %arg9[%swap3A_122, %swap3A_123], %get3A_119 {strides = array<i32>} : memref<400x64xf32, #tpu.memory_space<vmem>>, vector<16xf32>,
        %add3A_125 = arith.constant 48 : i32
        %add3A_126 = arith.addi %squeeze3A, %add3A_125 : i32
        %get3A_127 = arith.index_cast %add3A_126 : i32 to index
        %get3A_128 = tpu.vector_load %arg5[%get3A_127] {strides = array<i32>} : memref<14784xf32, #tpu.memory_space<vmem>>, vector<16xf32>,
        %add3A_129 = arith.constant 0 : i32
        %add3A_130 = arith.addi %mul3A_94, %add3A_129 : i32
        %swap3A_131 = arith.index_cast %add3A_130 : i32 to index
        %swap3A_132 = arith.constant 48 : index
        %swap3A_133 = tpu.vector_load %arg9[%swap3A_131, %swap3A_132] {strides = array<i32>} : memref<400x64xf32, #tpu.memory_space<vmem>>, vector<16xf32>,
        tpu.vector_store %arg9[%swap3A_131, %swap3A_132], %get3A_128 {strides = array<i32>} : memref<400x64xf32, #tpu.memory_space<vmem>>, vector<16xf32>,
        %slice3A_134 = vector.extract_strided_slice %mul3A_98 {offsets = [1], sizes = [1], strides = [1]} : vector<16xi32> to vector<1xi32>
        %squeeze3A_135 = vector.extract %slice3A_134[0] : i32 from vector<1xi32>
        %add3A_136 = arith.constant 0 : i32
        %add3A_137 = arith.addi %squeeze3A_135, %add3A_136 : i32
        %get3A_138 = arith.index_cast %add3A_137 : i32 to index
        %get3A_139 = tpu.vector_load %arg5[%get3A_138] {strides = array<i32>} : memref<14784xf32, #tpu.memory_space<vmem>>, vector<16xf32>,
        %add3A_140 = arith.constant 1 : i32
        %add3A_141 = arith.addi %mul3A_94, %add3A_140 : i32
        %swap3A_142 = arith.index_cast %add3A_141 : i32 to index
        %swap3A_143 = arith.constant 0 : index
        %swap3A_144 = tpu.vector_load %arg9[%swap3A_142, %swap3A_143] {strides = array<i32>} : memref<400x64xf32, #tpu.memory_space<vmem>>, vector<16xf32>,
        tpu.vector_store %arg9[%swap3A_142, %swap3A_143], %get3A_139 {strides = array<i32>} : memref<400x64xf32, #tpu.memory_space<vmem>>, vector<16xf32>,
        %add3A_145 = arith.constant 16 : i32
        %add3A_146 = arith.addi %squeeze3A_135, %add3A_145 : i32
        %get3A_147 = arith.index_cast %add3A_146 : i32 to index
        %get3A_148 = tpu.vector_load %arg5[%get3A_147] {strides = array<i32>} : memref<14784xf32, #tpu.memory_space<vmem>>, vector<16xf32>,
        %add3A_149 = arith.constant 1 : i32
        %add3A_150 = arith.addi %mul3A_94, %add3A_149 : i32
        %swap3A_151 = arith.index_cast %add3A_150 : i32 to index
        %swap3A_152 = arith.constant 16 : index
        %swap3A_153 = tpu.vector_load %arg9[%swap3A_151, %swap3A_152] {strides = array<i32>} : memref<400x64xf32, #tpu.memory_space<vmem>>, vector<16xf32>,
        tpu.vector_store %arg9[%swap3A_151, %swap3A_152], %get3A_148 {strides = array<i32>} : memref<400x64xf32, #tpu.memory_space<vmem>>, vector<16xf32>,
        %add3A_154 = arith.constant 32 : i32
        %add3A_155 = arith.addi %squeeze3A_135, %add3A_154 : i32
        %get3A_156 = arith.index_cast %add3A_155 : i32 to index
        %get3A_157 = tpu.vector_load %arg5[%get3A_156] {strides = array<i32>} : memref<14784xf32, #tpu.memory_space<vmem>>, vector<16xf32>,
        %add3A_158 = arith.constant 1 : i32
        %add3A_159 = arith.addi %mul3A_94, %add3A_158 : i32
        %swap3A_160 = arith.index_cast %add3A_159 : i32 to index
        %swap3A_161 = arith.constant 32 : index
        %swap3A_162 = tpu.vector_load %arg9[%swap3A_160, %swap3A_161] {strides = array<i32>} : memref<400x64xf32, #tpu.memory_space<vmem>>, vector<16xf32>,
        tpu.vector_store %arg9[%swap3A_160, %swap3A_161], %get3A_157 {strides = array<i32>} : memref<400x64xf32, #tpu.memory_space<vmem>>, vector<16xf32>,
        %add3A_163 = arith.constant 48 : i32
        %add3A_164 = arith.addi %squeeze3A_135, %add3A_163 : i32
        %get3A_165 = arith.index_cast %add3A_164 : i32 to index
        %get3A_166 = tpu.vector_load %arg5[%get3A_165] {strides = array<i32>} : memref<14784xf32, #tpu.memory_space<vmem>>, vector<16xf32>,
        %add3A_167 = arith.constant 1 : i32
        %add3A_168 = arith.addi %mul3A_94, %add3A_167 : i32
        %swap3A_169 = arith.index_cast %add3A_168 : i32 to index
        %swap3A_170 = arith.constant 48 : index
        %swap3A_171 = tpu.vector_load %arg9[%swap3A_169, %swap3A_170] {strides = array<i32>} : memref<400x64xf32, #tpu.memory_space<vmem>>, vector<16xf32>,
        tpu.vector_store %arg9[%swap3A_169, %swap3A_170], %get3A_166 {strides = array<i32>} : memref<400x64xf32, #tpu.memory_space<vmem>>, vector<16xf32>,
        %slice3A_172 = vector.extract_strided_slice %mul3A_98 {offsets = [2], sizes = [1], strides = [1]} : vector<16xi32> to vector<1xi32>
        %squeeze3A_173 = vector.extract %slice3A_172[0] : i32 from vector<1xi32>
        %add3A_174 = arith.constant 0 : i32
        %add3A_175 = arith.addi %squeeze3A_173, %add3A_174 : i32
        %get3A_176 = arith.index_cast %add3A_175 : i32 to index
        %get3A_177 = tpu.vector_load %arg5[%get3A_176] {strides = array<i32>} : memref<14784xf32, #tpu.memory_space<vmem>>, vector<16xf32>,
        %add3A_178 = arith.constant 2 : i32
        %add3A_179 = arith.addi %mul3A_94, %add3A_178 : i32
        %swap3A_180 = arith.index_cast %add3A_179 : i32 to index
        %swap3A_181 = arith.constant 0 : index
        %swap3A_182 = tpu.vector_load %arg9[%swap3A_180, %swap3A_181] {strides = array<i32>} : memref<400x64xf32, #tpu.memory_space<vmem>>, vector<16xf32>,
        tpu.vector_store %arg9[%swap3A_180, %swap3A_181], %get3A_177 {strides = array<i32>} : memref<400x64xf32, #tpu.memory_space<vmem>>, vector<16xf32>,
        %add3A_183 = arith.constant 16 : i32
        %add3A_184 = arith.addi %squeeze3A_173, %add3A_183 : i32
        %get3A_185 = arith.index_cast %add3A_184 : i32 to index
        %get3A_186 = tpu.vector_load %arg5[%get3A_185] {strides = array<i32>} : memref<14784xf32, #tpu.memory_space<vmem>>, vector<16xf32>,
        %add3A_187 = arith.constant 2 : i32
        %add3A_188 = arith.addi %mul3A_94, %add3A_187 : i32
        %swap3A_189 = arith.index_cast %add3A_188 : i32 to index
        %swap3A_190 = arith.constant 16 : index
        %swap3A_191 = tpu.vector_load %arg9[%swap3A_189, %swap3A_190] {strides = array<i32>} : memref<400x64xf32, #tpu.memory_space<vmem>>, vector<16xf32>,
        tpu.vector_store %arg9[%swap3A_189, %swap3A_190], %get3A_186 {strides = array<i32>} : memref<400x64xf32, #tpu.memory_space<vmem>>, vector<16xf32>,
        %add3A_192 = arith.constant 32 : i32
        %add3A_193 = arith.addi %squeeze3A_173, %add3A_192 : i32
        %get3A_194 = arith.index_cast %add3A_193 : i32 to index
        %get3A_195 = tpu.vector_load %arg5[%get3A_194] {strides = array<i32>} : memref<14784xf32, #tpu.memory_space<vmem>>, vector<16xf32>,
        %add3A_196 = arith.constant 2 : i32
        %add3A_197 = arith.addi %mul3A_94, %add3A_196 : i32
        %swap3A_198 = arith.index_cast %add3A_197 : i32 to index
        %swap3A_199 = arith.constant 32 : index
        %swap3A_200 = tpu.vector_load %arg9[%swap3A_198, %swap3A_199] {strides = array<i32>} : memref<400x64xf32, #tpu.memory_space<vmem>>, vector<16xf32>,
        tpu.vector_store %arg9[%swap3A_198, %swap3A_199], %get3A_195 {strides = array<i32>} : memref<400x64xf32, #tpu.memory_space<vmem>>, vector<16xf32>,
        %add3A_201 = arith.constant 48 : i32
        %add3A_202 = arith.addi %squeeze3A_173, %add3A_201 : i32
        %get3A_203 = arith.index_cast %add3A_202 : i32 to index
        %get3A_204 = tpu.vector_load %arg5[%get3A_203] {strides = array<i32>} : memref<14784xf32, #tpu.memory_space<vmem>>, vector<16xf32>,
        %add3A_205 = arith.constant 2 : i32
        %add3A_206 = arith.addi %mul3A_94, %add3A_205 : i32
        %swap3A_207 = arith.index_cast %add3A_206 : i32 to index
        %swap3A_208 = arith.constant 48 : index
        %swap3A_209 = tpu.vector_load %arg9[%swap3A_207, %swap3A_208] {strides = array<i32>} : memref<400x64xf32, #tpu.memory_space<vmem>>, vector<16xf32>,
        tpu.vector_store %arg9[%swap3A_207, %swap3A_208], %get3A_204 {strides = array<i32>} : memref<400x64xf32, #tpu.memory_space<vmem>>, vector<16xf32>,
        %slice3A_210 = vector.extract_strided_slice %mul3A_98 {offsets = [3], sizes = [1], strides = [1]} : vector<16xi32> to vector<1xi32>
        %squeeze3A_211 = vector.extract %slice3A_210[0] : i32 from vector<1xi32>
        %add3A_212 = arith.constant 0 : i32
        %add3A_213 = arith.addi %squeeze3A_211, %add3A_212 : i32
        %get3A_214 = arith.index_cast %add3A_213 : i32 to index
        %get3A_215 = tpu.vector_load %arg5[%get3A_214] {strides = array<i32>} : memref<14784xf32, #tpu.memory_space<vmem>>, vector<16xf32>,
        %add3A_216 = arith.constant 3 : i32
        %add3A_217 = arith.addi %mul3A_94, %add3A_216 : i32
        %swap3A_218 = arith.index_cast %add3A_217 : i32 to index
        %swap3A_219 = arith.constant 0 : index
        %swap3A_220 = tpu.vector_load %arg9[%swap3A_218, %swap3A_219] {strides = array<i32>} : memref<400x64xf32, #tpu.memory_space<vmem>>, vector<16xf32>,
        tpu.vector_store %arg9[%swap3A_218, %swap3A_219], %get3A_215 {strides = array<i32>} : memref<400x64xf32, #tpu.memory_space<vmem>>, vector<16xf32>,
        %add3A_221 = arith.constant 16 : i32
        %add3A_222 = arith.addi %squeeze3A_211, %add3A_221 : i32
        %get3A_223 = arith.index_cast %add3A_222 : i32 to index
        %get3A_224 = tpu.vector_load %arg5[%get3A_223] {strides = array<i32>} : memref<14784xf32, #tpu.memory_space<vmem>>, vector<16xf32>,
        %add3A_225 = arith.constant 3 : i32
        %add3A_226 = arith.addi %mul3A_94, %add3A_225 : i32
        %swap3A_227 = arith.index_cast %add3A_226 : i32 to index
        %swap3A_228 = arith.constant 16 : index
        %swap3A_229 = tpu.vector_load %arg9[%swap3A_227, %swap3A_228] {strides = array<i32>} : memref<400x64xf32, #tpu.memory_space<vmem>>, vector<16xf32>,
        tpu.vector_store %arg9[%swap3A_227, %swap3A_228], %get3A_224 {strides = array<i32>} : memref<400x64xf32, #tpu.memory_space<vmem>>, vector<16xf32>,
        %add3A_230 = arith.constant 32 : i32
        %add3A_231 = arith.addi %squeeze3A_211, %add3A_230 : i32
        %get3A_232 = arith.index_cast %add3A_231 : i32 to index
        %get3A_233 = tpu.vector_load %arg5[%get3A_232] {strides = array<i32>} : memref<14784xf32, #tpu.memory_space<vmem>>, vector<16xf32>,
        %add3A_234 = arith.constant 3 : i32
        %add3A_235 = arith.addi %mul3A_94, %add3A_234 : i32
        %swap3A_236 = arith.index_cast %add3A_235 : i32 to index
        %swap3A_237 = arith.constant 32 : index
        %swap3A_238 = tpu.vector_load %arg9[%swap3A_236, %swap3A_237] {strides = array<i32>} : memref<400x64xf32, #tpu.memory_space<vmem>>, vector<16xf32>,
        tpu.vector_store %arg9[%swap3A_236, %swap3A_237], %get3A_233 {strides = array<i32>} : memref<400x64xf32, #tpu.memory_space<vmem>>, vector<16xf32>,
        %add3A_239 = arith.constant 48 : i32
        %add3A_240 = arith.addi %squeeze3A_211, %add3A_239 : i32
        %get3A_241 = arith.index_cast %add3A_240 : i32 to index
        %get3A_242 = tpu.vector_load %arg5[%get3A_241] {strides = array<i32>} : memref<14784xf32, #tpu.memory_space<vmem>>, vector<16xf32>,
        %add3A_243 = arith.constant 3 : i32
        %add3A_244 = arith.addi %mul3A_94, %add3A_243 : i32
        %swap3A_245 = arith.index_cast %add3A_244 : i32 to index
        %swap3A_246 = arith.constant 48 : index
        %swap3A_247 = tpu.vector_load %arg9[%swap3A_245, %swap3A_246] {strides = array<i32>} : memref<400x64xf32, #tpu.memory_space<vmem>>, vector<16xf32>,
        tpu.vector_store %arg9[%swap3A_245, %swap3A_246], %get3A_242 {strides = array<i32>} : memref<400x64xf32, #tpu.memory_space<vmem>>, vector<16xf32>,
        %slice3A_248 = vector.extract_strided_slice %mul3A_98 {offsets = [4], sizes = [1], strides = [1]} : vector<16xi32> to vector<1xi32>
        %squeeze3A_249 = vector.extract %slice3A_248[0] : i32 from vector<1xi32>
        %add3A_250 = arith.constant 0 : i32
        %add3A_251 = arith.addi %squeeze3A_249, %add3A_250 : i32
        %get3A_252 = arith.index_cast %add3A_251 : i32 to index
        %get3A_253 = tpu.vector_load %arg5[%get3A_252] {strides = array<i32>} : memref<14784xf32, #tpu.memory_space<vmem>>, vector<16xf32>,
        %add3A_254 = arith.constant 4 : i32
        %add3A_255 = arith.addi %mul3A_94, %add3A_254 : i32
        %swap3A_256 = arith.index_cast %add3A_255 : i32 to index
        %swap3A_257 = arith.constant 0 : index
        %swap3A_258 = tpu.vector_load %arg9[%swap3A_256, %swap3A_257] {strides = array<i32>} : memref<400x64xf32, #tpu.memory_space<vmem>>, vector<16xf32>,
        tpu.vector_store %arg9[%swap3A_256, %swap3A_257], %get3A_253 {strides = array<i32>} : memref<400x64xf32, #tpu.memory_space<vmem>>, vector<16xf32>,
        %add3A_259 = arith.constant 16 : i32
        %add3A_260 = arith.addi %squeeze3A_249, %add3A_259 : i32
        %get3A_261 = arith.index_cast %add3A_260 : i32 to index
        %get3A_262 = tpu.vector_load %arg5[%get3A_261] {strides = array<i32>} : memref<14784xf32, #tpu.memory_space<vmem>>, vector<16xf32>,
        %add3A_263 = arith.constant 4 : i32
        %add3A_264 = arith.addi %mul3A_94, %add3A_263 : i32
        %swap3A_265 = arith.index_cast %add3A_264 : i32 to index
        %swap3A_266 = arith.constant 16 : index
        %swap3A_267 = tpu.vector_load %arg9[%swap3A_265, %swap3A_266] {strides = array<i32>} : memref<400x64xf32, #tpu.memory_space<vmem>>, vector<16xf32>,
        tpu.vector_store %arg9[%swap3A_265, %swap3A_266], %get3A_262 {strides = array<i32>} : memref<400x64xf32, #tpu.memory_space<vmem>>, vector<16xf32>,
        %add3A_268 = arith.constant 32 : i32
        %add3A_269 = arith.addi %squeeze3A_249, %add3A_268 : i32
        %get3A_270 = arith.index_cast %add3A_269 : i32 to index
        %get3A_271 = tpu.vector_load %arg5[%get3A_270] {strides = array<i32>} : memref<14784xf32, #tpu.memory_space<vmem>>, vector<16xf32>,
        %add3A_272 = arith.constant 4 : i32
        %add3A_273 = arith.addi %mul3A_94, %add3A_272 : i32
        %swap3A_274 = arith.index_cast %add3A_273 : i32 to index
        %swap3A_275 = arith.constant 32 : index
        %swap3A_276 = tpu.vector_load %arg9[%swap3A_274, %swap3A_275] {strides = array<i32>} : memref<400x64xf32, #tpu.memory_space<vmem>>, vector<16xf32>,
        tpu.vector_store %arg9[%swap3A_274, %swap3A_275], %get3A_271 {strides = array<i32>} : memref<400x64xf32, #tpu.memory_space<vmem>>, vector<16xf32>,
        %add3A_277 = arith.constant 48 : i32
        %add3A_278 = arith.addi %squeeze3A_249, %add3A_277 : i32
        %get3A_279 = arith.index_cast %add3A_278 : i32 to index
        %get3A_280 = tpu.vector_load %arg5[%get3A_279] {strides = array<i32>} : memref<14784xf32, #tpu.memory_space<vmem>>, vector<16xf32>,
        %add3A_281 = arith.constant 4 : i32
        %add3A_282 = arith.addi %mul3A_94, %add3A_281 : i32
        %swap3A_283 = arith.index_cast %add3A_282 : i32 to index
        %swap3A_284 = arith.constant 48 : index
        %swap3A_285 = tpu.vector_load %arg9[%swap3A_283, %swap3A_284] {strides = array<i32>} : memref<400x64xf32, #tpu.memory_space<vmem>>, vector<16xf32>,
        tpu.vector_store %arg9[%swap3A_283, %swap3A_284], %get3A_280 {strides = array<i32>} : memref<400x64xf32, #tpu.memory_space<vmem>>, vector<16xf32>,
        %slice3A_286 = vector.extract_strided_slice %mul3A_98 {offsets = [5], sizes = [1], strides = [1]} : vector<16xi32> to vector<1xi32>
        %squeeze3A_287 = vector.extract %slice3A_286[0] : i32 from vector<1xi32>
        %add3A_288 = arith.constant 0 : i32
        %add3A_289 = arith.addi %squeeze3A_287, %add3A_288 : i32
        %get3A_290 = arith.index_cast %add3A_289 : i32 to index
        %get3A_291 = tpu.vector_load %arg5[%get3A_290] {strides = array<i32>} : memref<14784xf32, #tpu.memory_space<vmem>>, vector<16xf32>,
        %add3A_292 = arith.constant 5 : i32
        %add3A_293 = arith.addi %mul3A_94, %add3A_292 : i32
        %swap3A_294 = arith.index_cast %add3A_293 : i32 to index
        %swap3A_295 = arith.constant 0 : index
        %swap3A_296 = tpu.vector_load %arg9[%swap3A_294, %swap3A_295] {strides = array<i32>} : memref<400x64xf32, #tpu.memory_space<vmem>>, vector<16xf32>,
        tpu.vector_store %arg9[%swap3A_294, %swap3A_295], %get3A_291 {strides = array<i32>} : memref<400x64xf32, #tpu.memory_space<vmem>>, vector<16xf32>,
        %add3A_297 = arith.constant 16 : i32
        %add3A_298 = arith.addi %squeeze3A_287, %add3A_297 : i32
        %get3A_299 = arith.index_cast %add3A_298 : i32 to index
        %get3A_300 = tpu.vector_load %arg5[%get3A_299] {strides = array<i32>} : memref<14784xf32, #tpu.memory_space<vmem>>, vector<16xf32>,
        %add3A_301 = arith.constant 5 : i32
        %add3A_302 = arith.addi %mul3A_94, %add3A_301 : i32
        %swap3A_303 = arith.index_cast %add3A_302 : i32 to index
        %swap3A_304 = arith.constant 16 : index
        %swap3A_305 = tpu.vector_load %arg9[%swap3A_303, %swap3A_304] {strides = array<i32>} : memref<400x64xf32, #tpu.memory_space<vmem>>, vector<16xf32>,
        tpu.vector_store %arg9[%swap3A_303, %swap3A_304], %get3A_300 {strides = array<i32>} : memref<400x64xf32, #tpu.memory_space<vmem>>, vector<16xf32>,
        %add3A_306 = arith.constant 32 : i32
        %add3A_307 = arith.addi %squeeze3A_287, %add3A_306 : i32
        %get3A_308 = arith.index_cast %add3A_307 : i32 to index
        %get3A_309 = tpu.vector_load %arg5[%get3A_308] {strides = array<i32>} : memref<14784xf32, #tpu.memory_space<vmem>>, vector<16xf32>,
        %add3A_310 = arith.constant 5 : i32
        %add3A_311 = arith.addi %mul3A_94, %add3A_310 : i32
        %swap3A_312 = arith.index_cast %add3A_311 : i32 to index
        %swap3A_313 = arith.constant 32 : index
        %swap3A_314 = tpu.vector_load %arg9[%swap3A_312, %swap3A_313] {strides = array<i32>} : memref<400x64xf32, #tpu.memory_space<vmem>>, vector<16xf32>,
        tpu.vector_store %arg9[%swap3A_312, %swap3A_313], %get3A_309 {strides = array<i32>} : memref<400x64xf32, #tpu.memory_space<vmem>>, vector<16xf32>,
        %add3A_315 = arith.constant 48 : i32
        %add3A_316 = arith.addi %squeeze3A_287, %add3A_315 : i32
        %get3A_317 = arith.index_cast %add3A_316 : i32 to index
        %get3A_318 = tpu.vector_load %arg5[%get3A_317] {strides = array<i32>} : memref<14784xf32, #tpu.memory_space<vmem>>, vector<16xf32>,
        %add3A_319 = arith.constant 5 : i32
        %add3A_320 = arith.addi %mul3A_94, %add3A_319 : i32
        %swap3A_321 = arith.index_cast %add3A_320 : i32 to index
        %swap3A_322 = arith.constant 48 : index
        %swap3A_323 = tpu.vector_load %arg9[%swap3A_321, %swap3A_322] {strides = array<i32>} : memref<400x64xf32, #tpu.memory_space<vmem>>, vector<16xf32>,
        tpu.vector_store %arg9[%swap3A_321, %swap3A_322], %get3A_318 {strides = array<i32>} : memref<400x64xf32, #tpu.memory_space<vmem>>, vector<16xf32>,
        %slice3A_324 = vector.extract_strided_slice %mul3A_98 {offsets = [6], sizes = [1], strides = [1]} : vector<16xi32> to vector<1xi32>
        %squeeze3A_325 = vector.extract %slice3A_324[0] : i32 from vector<1xi32>
        %add3A_326 = arith.constant 0 : i32
        %add3A_327 = arith.addi %squeeze3A_325, %add3A_326 : i32
        %get3A_328 = arith.index_cast %add3A_327 : i32 to index
        %get3A_329 = tpu.vector_load %arg5[%get3A_328] {strides = array<i32>} : memref<14784xf32, #tpu.memory_space<vmem>>, vector<16xf32>,
        %add3A_330 = arith.constant 6 : i32
        %add3A_331 = arith.addi %mul3A_94, %add3A_330 : i32
        %swap3A_332 = arith.index_cast %add3A_331 : i32 to index
        %swap3A_333 = arith.constant 0 : index
        %swap3A_334 = tpu.vector_load %arg9[%swap3A_332, %swap3A_333] {strides = array<i32>} : memref<400x64xf32, #tpu.memory_space<vmem>>, vector<16xf32>,
        tpu.vector_store %arg9[%swap3A_332, %swap3A_333], %get3A_329 {strides = array<i32>} : memref<400x64xf32, #tpu.memory_space<vmem>>, vector<16xf32>,
        %add3A_335 = arith.constant 16 : i32
        %add3A_336 = arith.addi %squeeze3A_325, %add3A_335 : i32
        %get3A_337 = arith.index_cast %add3A_336 : i32 to index
        %get3A_338 = tpu.vector_load %arg5[%get3A_337] {strides = array<i32>} : memref<14784xf32, #tpu.memory_space<vmem>>, vector<16xf32>,
        %add3A_339 = arith.constant 6 : i32
        %add3A_340 = arith.addi %mul3A_94, %add3A_339 : i32
        %swap3A_341 = arith.index_cast %add3A_340 : i32 to index
        %swap3A_342 = arith.constant 16 : index
        %swap3A_343 = tpu.vector_load %arg9[%swap3A_341, %swap3A_342] {strides = array<i32>} : memref<400x64xf32, #tpu.memory_space<vmem>>, vector<16xf32>,
        tpu.vector_store %arg9[%swap3A_341, %swap3A_342], %get3A_338 {strides = array<i32>} : memref<400x64xf32, #tpu.memory_space<vmem>>, vector<16xf32>,
        %add3A_344 = arith.constant 32 : i32
        %add3A_345 = arith.addi %squeeze3A_325, %add3A_344 : i32
        %get3A_346 = arith.index_cast %add3A_345 : i32 to index
        %get3A_347 = tpu.vector_load %arg5[%get3A_346] {strides = array<i32>} : memref<14784xf32, #tpu.memory_space<vmem>>, vector<16xf32>,
        %add3A_348 = arith.constant 6 : i32
        %add3A_349 = arith.addi %mul3A_94, %add3A_348 : i32
        %swap3A_350 = arith.index_cast %add3A_349 : i32 to index
        %swap3A_351 = arith.constant 32 : index
        %swap3A_352 = tpu.vector_load %arg9[%swap3A_350, %swap3A_351] {strides = array<i32>} : memref<400x64xf32, #tpu.memory_space<vmem>>, vector<16xf32>,
        tpu.vector_store %arg9[%swap3A_350, %swap3A_351], %get3A_347 {strides = array<i32>} : memref<400x64xf32, #tpu.memory_space<vmem>>, vector<16xf32>,
        %add3A_353 = arith.constant 48 : i32
        %add3A_354 = arith.addi %squeeze3A_325, %add3A_353 : i32
        %get3A_355 = arith.index_cast %add3A_354 : i32 to index
        %get3A_356 = tpu.vector_load %arg5[%get3A_355] {strides = array<i32>} : memref<14784xf32, #tpu.memory_space<vmem>>, vector<16xf32>,
        %add3A_357 = arith.constant 6 : i32
        %add3A_358 = arith.addi %mul3A_94, %add3A_357 : i32
        %swap3A_359 = arith.index_cast %add3A_358 : i32 to index
        %swap3A_360 = arith.constant 48 : index
        %swap3A_361 = tpu.vector_load %arg9[%swap3A_359, %swap3A_360] {strides = array<i32>} : memref<400x64xf32, #tpu.memory_space<vmem>>, vector<16xf32>,
        tpu.vector_store %arg9[%swap3A_359, %swap3A_360], %get3A_356 {strides = array<i32>} : memref<400x64xf32, #tpu.memory_space<vmem>>, vector<16xf32>,
        %slice3A_362 = vector.extract_strided_slice %mul3A_98 {offsets = [7], sizes = [1], strides = [1]} : vector<16xi32> to vector<1xi32>
        %squeeze3A_363 = vector.extract %slice3A_362[0] : i32 from vector<1xi32>
        %add3A_364 = arith.constant 0 : i32
        %add3A_365 = arith.addi %squeeze3A_363, %add3A_364 : i32
        %get3A_366 = arith.index_cast %add3A_365 : i32 to index
        %get3A_367 = tpu.vector_load %arg5[%get3A_366] {strides = array<i32>} : memref<14784xf32, #tpu.memory_space<vmem>>, vector<16xf32>,
        %add3A_368 = arith.constant 7 : i32
        %add3A_369 = arith.addi %mul3A_94, %add3A_368 : i32
        %swap3A_370 = arith.index_cast %add3A_369 : i32 to index
        %swap3A_371 = arith.constant 0 : index
        %swap3A_372 = tpu.vector_load %arg9[%swap3A_370, %swap3A_371] {strides = array<i32>} : memref<400x64xf32, #tpu.memory_space<vmem>>, vector<16xf32>,
        tpu.vector_store %arg9[%swap3A_370, %swap3A_371], %get3A_367 {strides = array<i32>} : memref<400x64xf32, #tpu.memory_space<vmem>>, vector<16xf32>,
        %add3A_373 = arith.constant 16 : i32
        %add3A_374 = arith.addi %squeeze3A_363, %add3A_373 : i32
        %get3A_375 = arith.index_cast %add3A_374 : i32 to index
        %get3A_376 = tpu.vector_load %arg5[%get3A_375] {strides = array<i32>} : memref<14784xf32, #tpu.memory_space<vmem>>, vector<16xf32>,
        %add3A_377 = arith.constant 7 : i32
        %add3A_378 = arith.addi %mul3A_94, %add3A_377 : i32
        %swap3A_379 = arith.index_cast %add3A_378 : i32 to index
        %swap3A_380 = arith.constant 16 : index
        %swap3A_381 = tpu.vector_load %arg9[%swap3A_379, %swap3A_380] {strides = array<i32>} : memref<400x64xf32, #tpu.memory_space<vmem>>, vector<16xf32>,
        tpu.vector_store %arg9[%swap3A_379, %swap3A_380], %get3A_376 {strides = array<i32>} : memref<400x64xf32, #tpu.memory_space<vmem>>, vector<16xf32>,
        %add3A_382 = arith.constant 32 : i32
        %add3A_383 = arith.addi %squeeze3A_363, %add3A_382 : i32
        %get3A_384 = arith.index_cast %add3A_383 : i32 to index
        %get3A_385 = tpu.vector_load %arg5[%get3A_384] {strides = array<i32>} : memref<14784xf32, #tpu.memory_space<vmem>>, vector<16xf32>,
        %add3A_386 = arith.constant 7 : i32
        %add3A_387 = arith.addi %mul3A_94, %add3A_386 : i32
        %swap3A_388 = arith.index_cast %add3A_387 : i32 to index
        %swap3A_389 = arith.constant 32 : index
        %swap3A_390 = tpu.vector_load %arg9[%swap3A_388, %swap3A_389] {strides = array<i32>} : memref<400x64xf32, #tpu.memory_space<vmem>>, vector<16xf32>,
        tpu.vector_store %arg9[%swap3A_388, %swap3A_389], %get3A_385 {strides = array<i32>} : memref<400x64xf32, #tpu.memory_space<vmem>>, vector<16xf32>,
        %add3A_391 = arith.constant 48 : i32
        %add3A_392 = arith.addi %squeeze3A_363, %add3A_391 : i32
        %get3A_393 = arith.index_cast %add3A_392 : i32 to index
        %get3A_394 = tpu.vector_load %arg5[%get3A_393] {strides = array<i32>} : memref<14784xf32, #tpu.memory_space<vmem>>, vector<16xf32>,
        %add3A_395 = arith.constant 7 : i32
        %add3A_396 = arith.addi %mul3A_94, %add3A_395 : i32
        %swap3A_397 = arith.index_cast %add3A_396 : i32 to index
        %swap3A_398 = arith.constant 48 : index
        %swap3A_399 = tpu.vector_load %arg9[%swap3A_397, %swap3A_398] {strides = array<i32>} : memref<400x64xf32, #tpu.memory_space<vmem>>, vector<16xf32>,
        tpu.vector_store %arg9[%swap3A_397, %swap3A_398], %get3A_394 {strides = array<i32>} : memref<400x64xf32, #tpu.memory_space<vmem>>, vector<16xf32>,
        %slice3A_400 = vector.extract_strided_slice %mul3A_98 {offsets = [8], sizes = [1], strides = [1]} : vector<16xi32> to vector<1xi32>
        %squeeze3A_401 = vector.extract %slice3A_400[0] : i32 from vector<1xi32>
        %add3A_402 = arith.constant 0 : i32
        %add3A_403 = arith.addi %squeeze3A_401, %add3A_402 : i32
        %get3A_404 = arith.index_cast %add3A_403 : i32 to index
        %get3A_405 = tpu.vector_load %arg5[%get3A_404] {strides = array<i32>} : memref<14784xf32, #tpu.memory_space<vmem>>, vector<16xf32>,
        %add3A_406 = arith.constant 8 : i32
        %add3A_407 = arith.addi %mul3A_94, %add3A_406 : i32
        %swap3A_408 = arith.index_cast %add3A_407 : i32 to index
        %swap3A_409 = arith.constant 0 : index
        %swap3A_410 = tpu.vector_load %arg9[%swap3A_408, %swap3A_409] {strides = array<i32>} : memref<400x64xf32, #tpu.memory_space<vmem>>, vector<16xf32>,
        tpu.vector_store %arg9[%swap3A_408, %swap3A_409], %get3A_405 {strides = array<i32>} : memref<400x64xf32, #tpu.memory_space<vmem>>, vector<16xf32>,
        %add3A_411 = arith.constant 16 : i32
        %add3A_412 = arith.addi %squeeze3A_401, %add3A_411 : i32
        %get3A_413 = arith.index_cast %add3A_412 : i32 to index
        %get3A_414 = tpu.vector_load %arg5[%get3A_413] {strides = array<i32>} : memref<14784xf32, #tpu.memory_space<vmem>>, vector<16xf32>,
        %add3A_415 = arith.constant 8 : i32
        %add3A_416 = arith.addi %mul3A_94, %add3A_415 : i32
        %swap3A_417 = arith.index_cast %add3A_416 : i32 to index
        %swap3A_418 = arith.constant 16 : index
        %swap3A_419 = tpu.vector_load %arg9[%swap3A_417, %swap3A_418] {strides = array<i32>} : memref<400x64xf32, #tpu.memory_space<vmem>>, vector<16xf32>,
        tpu.vector_store %arg9[%swap3A_417, %swap3A_418], %get3A_414 {strides = array<i32>} : memref<400x64xf32, #tpu.memory_space<vmem>>, vector<16xf32>,
        %add3A_420 = arith.constant 32 : i32
        %add3A_421 = arith.addi %squeeze3A_401, %add3A_420 : i32
        %get3A_422 = arith.index_cast %add3A_421 : i32 to index
        %get3A_423 = tpu.vector_load %arg5[%get3A_422] {strides = array<i32>} : memref<14784xf32, #tpu.memory_space<vmem>>, vector<16xf32>,
        %add3A_424 = arith.constant 8 : i32
        %add3A_425 = arith.addi %mul3A_94, %add3A_424 : i32
        %swap3A_426 = arith.index_cast %add3A_425 : i32 to index
        %swap3A_427 = arith.constant 32 : index
        %swap3A_428 = tpu.vector_load %arg9[%swap3A_426, %swap3A_427] {strides = array<i32>} : memref<400x64xf32, #tpu.memory_space<vmem>>, vector<16xf32>,
        tpu.vector_store %arg9[%swap3A_426, %swap3A_427], %get3A_423 {strides = array<i32>} : memref<400x64xf32, #tpu.memory_space<vmem>>, vector<16xf32>,
        %add3A_429 = arith.constant 48 : i32
        %add3A_430 = arith.addi %squeeze3A_401, %add3A_429 : i32
        %get3A_431 = arith.index_cast %add3A_430 : i32 to index
        %get3A_432 = tpu.vector_load %arg5[%get3A_431] {strides = array<i32>} : memref<14784xf32, #tpu.memory_space<vmem>>, vector<16xf32>,
        %add3A_433 = arith.constant 8 : i32
        %add3A_434 = arith.addi %mul3A_94, %add3A_433 : i32
        %swap3A_435 = arith.index_cast %add3A_434 : i32 to index
        %swap3A_436 = arith.constant 48 : index
        %swap3A_437 = tpu.vector_load %arg9[%swap3A_435, %swap3A_436] {strides = array<i32>} : memref<400x64xf32, #tpu.memory_space<vmem>>, vector<16xf32>,
        tpu.vector_store %arg9[%swap3A_435, %swap3A_436], %get3A_432 {strides = array<i32>} : memref<400x64xf32, #tpu.memory_space<vmem>>, vector<16xf32>,
        %slice3A_438 = vector.extract_strided_slice %mul3A_98 {offsets = [9], sizes = [1], strides = [1]} : vector<16xi32> to vector<1xi32>
        %squeeze3A_439 = vector.extract %slice3A_438[0] : i32 from vector<1xi32>
        %add3A_440 = arith.constant 0 : i32
        %add3A_441 = arith.addi %squeeze3A_439, %add3A_440 : i32
        %get3A_442 = arith.index_cast %add3A_441 : i32 to index
        %get3A_443 = tpu.vector_load %arg5[%get3A_442] {strides = array<i32>} : memref<14784xf32, #tpu.memory_space<vmem>>, vector<16xf32>,
        %add3A_444 = arith.constant 9 : i32
        %add3A_445 = arith.addi %mul3A_94, %add3A_444 : i32
        %swap3A_446 = arith.index_cast %add3A_445 : i32 to index
        %swap3A_447 = arith.constant 0 : index
        %swap3A_448 = tpu.vector_load %arg9[%swap3A_446, %swap3A_447] {strides = array<i32>} : memref<400x64xf32, #tpu.memory_space<vmem>>, vector<16xf32>,
        tpu.vector_store %arg9[%swap3A_446, %swap3A_447], %get3A_443 {strides = array<i32>} : memref<400x64xf32, #tpu.memory_space<vmem>>, vector<16xf32>,
        %add3A_449 = arith.constant 16 : i32
        %add3A_450 = arith.addi %squeeze3A_439, %add3A_449 : i32
        %get3A_451 = arith.index_cast %add3A_450 : i32 to index
        %get3A_452 = tpu.vector_load %arg5[%get3A_451] {strides = array<i32>} : memref<14784xf32, #tpu.memory_space<vmem>>, vector<16xf32>,
        %add3A_453 = arith.constant 9 : i32
        %add3A_454 = arith.addi %mul3A_94, %add3A_453 : i32
        %swap3A_455 = arith.index_cast %add3A_454 : i32 to index
        %swap3A_456 = arith.constant 16 : index
        %swap3A_457 = tpu.vector_load %arg9[%swap3A_455, %swap3A_456] {strides = array<i32>} : memref<400x64xf32, #tpu.memory_space<vmem>>, vector<16xf32>,
        tpu.vector_store %arg9[%swap3A_455, %swap3A_456], %get3A_452 {strides = array<i32>} : memref<400x64xf32, #tpu.memory_space<vmem>>, vector<16xf32>,
        %add3A_458 = arith.constant 32 : i32
        %add3A_459 = arith.addi %squeeze3A_439, %add3A_458 : i32
        %get3A_460 = arith.index_cast %add3A_459 : i32 to index
        %get3A_461 = tpu.vector_load %arg5[%get3A_460] {strides = array<i32>} : memref<14784xf32, #tpu.memory_space<vmem>>, vector<16xf32>,
        %add3A_462 = arith.constant 9 : i32
        %add3A_463 = arith.addi %mul3A_94, %add3A_462 : i32
        %swap3A_464 = arith.index_cast %add3A_463 : i32 to index
        %swap3A_465 = arith.constant 32 : index
        %swap3A_466 = tpu.vector_load %arg9[%swap3A_464, %swap3A_465] {strides = array<i32>} : memref<400x64xf32, #tpu.memory_space<vmem>>, vector<16xf32>,
        tpu.vector_store %arg9[%swap3A_464, %swap3A_465], %get3A_461 {strides = array<i32>} : memref<400x64xf32, #tpu.memory_space<vmem>>, vector<16xf32>,
        %add3A_467 = arith.constant 48 : i32
        %add3A_468 = arith.addi %squeeze3A_439, %add3A_467 : i32
        %get3A_469 = arith.index_cast %add3A_468 : i32 to index
        %get3A_470 = tpu.vector_load %arg5[%get3A_469] {strides = array<i32>} : memref<14784xf32, #tpu.memory_space<vmem>>, vector<16xf32>,
        %add3A_471 = arith.constant 9 : i32
        %add3A_472 = arith.addi %mul3A_94, %add3A_471 : i32
        %swap3A_473 = arith.index_cast %add3A_472 : i32 to index
        %swap3A_474 = arith.constant 48 : index
        %swap3A_475 = tpu.vector_load %arg9[%swap3A_473, %swap3A_474] {strides = array<i32>} : memref<400x64xf32, #tpu.memory_space<vmem>>, vector<16xf32>,
        tpu.vector_store %arg9[%swap3A_473, %swap3A_474], %get3A_470 {strides = array<i32>} : memref<400x64xf32, #tpu.memory_space<vmem>>, vector<16xf32>,
        %slice3A_476 = vector.extract_strided_slice %mul3A_98 {offsets = [10], sizes = [1], strides = [1]} : vector<16xi32> to vector<1xi32>
        %squeeze3A_477 = vector.extract %slice3A_476[0] : i32 from vector<1xi32>
        %add3A_478 = arith.constant 0 : i32
        %add3A_479 = arith.addi %squeeze3A_477, %add3A_478 : i32
        %get3A_480 = arith.index_cast %add3A_479 : i32 to index
        %get3A_481 = tpu.vector_load %arg5[%get3A_480] {strides = array<i32>} : memref<14784xf32, #tpu.memory_space<vmem>>, vector<16xf32>,
        %add3A_482 = arith.constant 10 : i32
        %add3A_483 = arith.addi %mul3A_94, %add3A_482 : i32
        %swap3A_484 = arith.index_cast %add3A_483 : i32 to index
        %swap3A_485 = arith.constant 0 : index
        %swap3A_486 = tpu.vector_load %arg9[%swap3A_484, %swap3A_485] {strides = array<i32>} : memref<400x64xf32, #tpu.memory_space<vmem>>, vector<16xf32>,
        tpu.vector_store %arg9[%swap3A_484, %swap3A_485], %get3A_481 {strides = array<i32>} : memref<400x64xf32, #tpu.memory_space<vmem>>, vector<16xf32>,
        %add3A_487 = arith.constant 16 : i32
        %add3A_488 = arith.addi %squeeze3A_477, %add3A_487 : i32
        %get3A_489 = arith.index_cast %add3A_488 : i32 to index
        %get3A_490 = tpu.vector_load %arg5[%get3A_489] {strides = array<i32>} : memref<14784xf32, #tpu.memory_space<vmem>>, vector<16xf32>,
        %add3A_491 = arith.constant 10 : i32
        %add3A_492 = arith.addi %mul3A_94, %add3A_491 : i32
        %swap3A_493 = arith.index_cast %add3A_492 : i32 to index
        %swap3A_494 = arith.constant 16 : index
        %swap3A_495 = tpu.vector_load %arg9[%swap3A_493, %swap3A_494] {strides = array<i32>} : memref<400x64xf32, #tpu.memory_space<vmem>>, vector<16xf32>,
        tpu.vector_store %arg9[%swap3A_493, %swap3A_494], %get3A_490 {strides = array<i32>} : memref<400x64xf32, #tpu.memory_space<vmem>>, vector<16xf32>,
        %add3A_496 = arith.constant 32 : i32
        %add3A_497 = arith.addi %squeeze3A_477, %add3A_496 : i32
        %get3A_498 = arith.index_cast %add3A_497 : i32 to index
        %get3A_499 = tpu.vector_load %arg5[%get3A_498] {strides = array<i32>} : memref<14784xf32, #tpu.memory_space<vmem>>, vector<16xf32>,
        %add3A_500 = arith.constant 10 : i32
        %add3A_501 = arith.addi %mul3A_94, %add3A_500 : i32
        %swap3A_502 = arith.index_cast %add3A_501 : i32 to index
        %swap3A_503 = arith.constant 32 : index
        %swap3A_504 = tpu.vector_load %arg9[%swap3A_502, %swap3A_503] {strides = array<i32>} : memref<400x64xf32, #tpu.memory_space<vmem>>, vector<16xf32>,
        tpu.vector_store %arg9[%swap3A_502, %swap3A_503], %get3A_499 {strides = array<i32>} : memref<400x64xf32, #tpu.memory_space<vmem>>, vector<16xf32>,
        %add3A_505 = arith.constant 48 : i32
        %add3A_506 = arith.addi %squeeze3A_477, %add3A_505 : i32
        %get3A_507 = arith.index_cast %add3A_506 : i32 to index
        %get3A_508 = tpu.vector_load %arg5[%get3A_507] {strides = array<i32>} : memref<14784xf32, #tpu.memory_space<vmem>>, vector<16xf32>,
        %add3A_509 = arith.constant 10 : i32
        %add3A_510 = arith.addi %mul3A_94, %add3A_509 : i32
        %swap3A_511 = arith.index_cast %add3A_510 : i32 to index
        %swap3A_512 = arith.constant 48 : index
        %swap3A_513 = tpu.vector_load %arg9[%swap3A_511, %swap3A_512] {strides = array<i32>} : memref<400x64xf32, #tpu.memory_space<vmem>>, vector<16xf32>,
        tpu.vector_store %arg9[%swap3A_511, %swap3A_512], %get3A_508 {strides = array<i32>} : memref<400x64xf32, #tpu.memory_space<vmem>>, vector<16xf32>,
        %slice3A_514 = vector.extract_strided_slice %mul3A_98 {offsets = [11], sizes = [1], strides = [1]} : vector<16xi32> to vector<1xi32>
        %squeeze3A_515 = vector.extract %slice3A_514[0] : i32 from vector<1xi32>
        %add3A_516 = arith.constant 0 : i32
        %add3A_517 = arith.addi %squeeze3A_515, %add3A_516 : i32
        %get3A_518 = arith.index_cast %add3A_517 : i32 to index
        %get3A_519 = tpu.vector_load %arg5[%get3A_518] {strides = array<i32>} : memref<14784xf32, #tpu.memory_space<vmem>>, vector<16xf32>,
        %add3A_520 = arith.constant 11 : i32
        %add3A_521 = arith.addi %mul3A_94, %add3A_520 : i32
        %swap3A_522 = arith.index_cast %add3A_521 : i32 to index
        %swap3A_523 = arith.constant 0 : index
        %swap3A_524 = tpu.vector_load %arg9[%swap3A_522, %swap3A_523] {strides = array<i32>} : memref<400x64xf32, #tpu.memory_space<vmem>>, vector<16xf32>,
        tpu.vector_store %arg9[%swap3A_522, %swap3A_523], %get3A_519 {strides = array<i32>} : memref<400x64xf32, #tpu.memory_space<vmem>>, vector<16xf32>,
        %add3A_525 = arith.constant 16 : i32
        %add3A_526 = arith.addi %squeeze3A_515, %add3A_525 : i32
        %get3A_527 = arith.index_cast %add3A_526 : i32 to index
        %get3A_528 = tpu.vector_load %arg5[%get3A_527] {strides = array<i32>} : memref<14784xf32, #tpu.memory_space<vmem>>, vector<16xf32>,
        %add3A_529 = arith.constant 11 : i32
        %add3A_530 = arith.addi %mul3A_94, %add3A_529 : i32
        %swap3A_531 = arith.index_cast %add3A_530 : i32 to index
        %swap3A_532 = arith.constant 16 : index
        %swap3A_533 = tpu.vector_load %arg9[%swap3A_531, %swap3A_532] {strides = array<i32>} : memref<400x64xf32, #tpu.memory_space<vmem>>, vector<16xf32>,
        tpu.vector_store %arg9[%swap3A_531, %swap3A_532], %get3A_528 {strides = array<i32>} : memref<400x64xf32, #tpu.memory_space<vmem>>, vector<16xf32>,
        %add3A_534 = arith.constant 32 : i32
        %add3A_535 = arith.addi %squeeze3A_515, %add3A_534 : i32
        %get3A_536 = arith.index_cast %add3A_535 : i32 to index
        %get3A_537 = tpu.vector_load %arg5[%get3A_536] {strides = array<i32>} : memref<14784xf32, #tpu.memory_space<vmem>>, vector<16xf32>,
        %add3A_538 = arith.constant 11 : i32
        %add3A_539 = arith.addi %mul3A_94, %add3A_538 : i32
        %swap3A_540 = arith.index_cast %add3A_539 : i32 to index
        %swap3A_541 = arith.constant 32 : index
        %swap3A_542 = tpu.vector_load %arg9[%swap3A_540, %swap3A_541] {strides = array<i32>} : memref<400x64xf32, #tpu.memory_space<vmem>>, vector<16xf32>,
        tpu.vector_store %arg9[%swap3A_540, %swap3A_541], %get3A_537 {strides = array<i32>} : memref<400x64xf32, #tpu.memory_space<vmem>>, vector<16xf32>,
        %add3A_543 = arith.constant 48 : i32
        %add3A_544 = arith.addi %squeeze3A_515, %add3A_543 : i32
        %get3A_545 = arith.index_cast %add3A_544 : i32 to index
        %get3A_546 = tpu.vector_load %arg5[%get3A_545] {strides = array<i32>} : memref<14784xf32, #tpu.memory_space<vmem>>, vector<16xf32>,
        %add3A_547 = arith.constant 11 : i32
        %add3A_548 = arith.addi %mul3A_94, %add3A_547 : i32
        %swap3A_549 = arith.index_cast %add3A_548 : i32 to index
        %swap3A_550 = arith.constant 48 : index
        %swap3A_551 = tpu.vector_load %arg9[%swap3A_549, %swap3A_550] {strides = array<i32>} : memref<400x64xf32, #tpu.memory_space<vmem>>, vector<16xf32>,
        tpu.vector_store %arg9[%swap3A_549, %swap3A_550], %get3A_546 {strides = array<i32>} : memref<400x64xf32, #tpu.memory_space<vmem>>, vector<16xf32>,
        %slice3A_552 = vector.extract_strided_slice %mul3A_98 {offsets = [12], sizes = [1], strides = [1]} : vector<16xi32> to vector<1xi32>
        %squeeze3A_553 = vector.extract %slice3A_552[0] : i32 from vector<1xi32>
        %add3A_554 = arith.constant 0 : i32
        %add3A_555 = arith.addi %squeeze3A_553, %add3A_554 : i32
        %get3A_556 = arith.index_cast %add3A_555 : i32 to index
        %get3A_557 = tpu.vector_load %arg5[%get3A_556] {strides = array<i32>} : memref<14784xf32, #tpu.memory_space<vmem>>, vector<16xf32>,
        %add3A_558 = arith.constant 12 : i32
        %add3A_559 = arith.addi %mul3A_94, %add3A_558 : i32
        %swap3A_560 = arith.index_cast %add3A_559 : i32 to index
        %swap3A_561 = arith.constant 0 : index
        %swap3A_562 = tpu.vector_load %arg9[%swap3A_560, %swap3A_561] {strides = array<i32>} : memref<400x64xf32, #tpu.memory_space<vmem>>, vector<16xf32>,
        tpu.vector_store %arg9[%swap3A_560, %swap3A_561], %get3A_557 {strides = array<i32>} : memref<400x64xf32, #tpu.memory_space<vmem>>, vector<16xf32>,
        %add3A_563 = arith.constant 16 : i32
        %add3A_564 = arith.addi %squeeze3A_553, %add3A_563 : i32
        %get3A_565 = arith.index_cast %add3A_564 : i32 to index
        %get3A_566 = tpu.vector_load %arg5[%get3A_565] {strides = array<i32>} : memref<14784xf32, #tpu.memory_space<vmem>>, vector<16xf32>,
        %add3A_567 = arith.constant 12 : i32
        %add3A_568 = arith.addi %mul3A_94, %add3A_567 : i32
        %swap3A_569 = arith.index_cast %add3A_568 : i32 to index
        %swap3A_570 = arith.constant 16 : index
        %swap3A_571 = tpu.vector_load %arg9[%swap3A_569, %swap3A_570] {strides = array<i32>} : memref<400x64xf32, #tpu.memory_space<vmem>>, vector<16xf32>,
        tpu.vector_store %arg9[%swap3A_569, %swap3A_570], %get3A_566 {strides = array<i32>} : memref<400x64xf32, #tpu.memory_space<vmem>>, vector<16xf32>,
        %add3A_572 = arith.constant 32 : i32
        %add3A_573 = arith.addi %squeeze3A_553, %add3A_572 : i32
        %get3A_574 = arith.index_cast %add3A_573 : i32 to index
        %get3A_575 = tpu.vector_load %arg5[%get3A_574] {strides = array<i32>} : memref<14784xf32, #tpu.memory_space<vmem>>, vector<16xf32>,
        %add3A_576 = arith.constant 12 : i32
        %add3A_577 = arith.addi %mul3A_94, %add3A_576 : i32
        %swap3A_578 = arith.index_cast %add3A_577 : i32 to index
        %swap3A_579 = arith.constant 32 : index
        %swap3A_580 = tpu.vector_load %arg9[%swap3A_578, %swap3A_579] {strides = array<i32>} : memref<400x64xf32, #tpu.memory_space<vmem>>, vector<16xf32>,
        tpu.vector_store %arg9[%swap3A_578, %swap3A_579], %get3A_575 {strides = array<i32>} : memref<400x64xf32, #tpu.memory_space<vmem>>, vector<16xf32>,
        %add3A_581 = arith.constant 48 : i32
        %add3A_582 = arith.addi %squeeze3A_553, %add3A_581 : i32
        %get3A_583 = arith.index_cast %add3A_582 : i32 to index
        %get3A_584 = tpu.vector_load %arg5[%get3A_583] {strides = array<i32>} : memref<14784xf32, #tpu.memory_space<vmem>>, vector<16xf32>,
        %add3A_585 = arith.constant 12 : i32
        %add3A_586 = arith.addi %mul3A_94, %add3A_585 : i32
        %swap3A_587 = arith.index_cast %add3A_586 : i32 to index
        %swap3A_588 = arith.constant 48 : index
        %swap3A_589 = tpu.vector_load %arg9[%swap3A_587, %swap3A_588] {strides = array<i32>} : memref<400x64xf32, #tpu.memory_space<vmem>>, vector<16xf32>,
        tpu.vector_store %arg9[%swap3A_587, %swap3A_588], %get3A_584 {strides = array<i32>} : memref<400x64xf32, #tpu.memory_space<vmem>>, vector<16xf32>,
        %slice3A_590 = vector.extract_strided_slice %mul3A_98 {offsets = [13], sizes = [1], strides = [1]} : vector<16xi32> to vector<1xi32>
        %squeeze3A_591 = vector.extract %slice3A_590[0] : i32 from vector<1xi32>
        %add3A_592 = arith.constant 0 : i32
        %add3A_593 = arith.addi %squeeze3A_591, %add3A_592 : i32
        %get3A_594 = arith.index_cast %add3A_593 : i32 to index
        %get3A_595 = tpu.vector_load %arg5[%get3A_594] {strides = array<i32>} : memref<14784xf32, #tpu.memory_space<vmem>>, vector<16xf32>,
        %add3A_596 = arith.constant 13 : i32
        %add3A_597 = arith.addi %mul3A_94, %add3A_596 : i32
        %swap3A_598 = arith.index_cast %add3A_597 : i32 to index
        %swap3A_599 = arith.constant 0 : index
        %swap3A_600 = tpu.vector_load %arg9[%swap3A_598, %swap3A_599] {strides = array<i32>} : memref<400x64xf32, #tpu.memory_space<vmem>>, vector<16xf32>,
        tpu.vector_store %arg9[%swap3A_598, %swap3A_599], %get3A_595 {strides = array<i32>} : memref<400x64xf32, #tpu.memory_space<vmem>>, vector<16xf32>,
        %add3A_601 = arith.constant 16 : i32
        %add3A_602 = arith.addi %squeeze3A_591, %add3A_601 : i32
        %get3A_603 = arith.index_cast %add3A_602 : i32 to index
        %get3A_604 = tpu.vector_load %arg5[%get3A_603] {strides = array<i32>} : memref<14784xf32, #tpu.memory_space<vmem>>, vector<16xf32>,
        %add3A_605 = arith.constant 13 : i32
        %add3A_606 = arith.addi %mul3A_94, %add3A_605 : i32
        %swap3A_607 = arith.index_cast %add3A_606 : i32 to index
        %swap3A_608 = arith.constant 16 : index
        %swap3A_609 = tpu.vector_load %arg9[%swap3A_607, %swap3A_608] {strides = array<i32>} : memref<400x64xf32, #tpu.memory_space<vmem>>, vector<16xf32>,
        tpu.vector_store %arg9[%swap3A_607, %swap3A_608], %get3A_604 {strides = array<i32>} : memref<400x64xf32, #tpu.memory_space<vmem>>, vector<16xf32>,
        %add3A_610 = arith.constant 32 : i32
        %add3A_611 = arith.addi %squeeze3A_591, %add3A_610 : i32
        %get3A_612 = arith.index_cast %add3A_611 : i32 to index
        %get3A_613 = tpu.vector_load %arg5[%get3A_612] {strides = array<i32>} : memref<14784xf32, #tpu.memory_space<vmem>>, vector<16xf32>,
        %add3A_614 = arith.constant 13 : i32
        %add3A_615 = arith.addi %mul3A_94, %add3A_614 : i32
        %swap3A_616 = arith.index_cast %add3A_615 : i32 to index
        %swap3A_617 = arith.constant 32 : index
        %swap3A_618 = tpu.vector_load %arg9[%swap3A_616, %swap3A_617] {strides = array<i32>} : memref<400x64xf32, #tpu.memory_space<vmem>>, vector<16xf32>,
        tpu.vector_store %arg9[%swap3A_616, %swap3A_617], %get3A_613 {strides = array<i32>} : memref<400x64xf32, #tpu.memory_space<vmem>>, vector<16xf32>,
        %add3A_619 = arith.constant 48 : i32
        %add3A_620 = arith.addi %squeeze3A_591, %add3A_619 : i32
        %get3A_621 = arith.index_cast %add3A_620 : i32 to index
        %get3A_622 = tpu.vector_load %arg5[%get3A_621] {strides = array<i32>} : memref<14784xf32, #tpu.memory_space<vmem>>, vector<16xf32>,
        %add3A_623 = arith.constant 13 : i32
        %add3A_624 = arith.addi %mul3A_94, %add3A_623 : i32
        %swap3A_625 = arith.index_cast %add3A_624 : i32 to index
        %swap3A_626 = arith.constant 48 : index
        %swap3A_627 = tpu.vector_load %arg9[%swap3A_625, %swap3A_626] {strides = array<i32>} : memref<400x64xf32, #tpu.memory_space<vmem>>, vector<16xf32>,
        tpu.vector_store %arg9[%swap3A_625, %swap3A_626], %get3A_622 {strides = array<i32>} : memref<400x64xf32, #tpu.memory_space<vmem>>, vector<16xf32>,
        %slice3A_628 = vector.extract_strided_slice %mul3A_98 {offsets = [14], sizes = [1], strides = [1]} : vector<16xi32> to vector<1xi32>
        %squeeze3A_629 = vector.extract %slice3A_628[0] : i32 from vector<1xi32>
        %add3A_630 = arith.constant 0 : i32
        %add3A_631 = arith.addi %squeeze3A_629, %add3A_630 : i32
        %get3A_632 = arith.index_cast %add3A_631 : i32 to index
        %get3A_633 = tpu.vector_load %arg5[%get3A_632] {strides = array<i32>} : memref<14784xf32, #tpu.memory_space<vmem>>, vector<16xf32>,
        %add3A_634 = arith.constant 14 : i32
        %add3A_635 = arith.addi %mul3A_94, %add3A_634 : i32
        %swap3A_636 = arith.index_cast %add3A_635 : i32 to index
        %swap3A_637 = arith.constant 0 : index
        %swap3A_638 = tpu.vector_load %arg9[%swap3A_636, %swap3A_637] {strides = array<i32>} : memref<400x64xf32, #tpu.memory_space<vmem>>, vector<16xf32>,
        tpu.vector_store %arg9[%swap3A_636, %swap3A_637], %get3A_633 {strides = array<i32>} : memref<400x64xf32, #tpu.memory_space<vmem>>, vector<16xf32>,
        %add3A_639 = arith.constant 16 : i32
        %add3A_640 = arith.addi %squeeze3A_629, %add3A_639 : i32
        %get3A_641 = arith.index_cast %add3A_640 : i32 to index
        %get3A_642 = tpu.vector_load %arg5[%get3A_641] {strides = array<i32>} : memref<14784xf32, #tpu.memory_space<vmem>>, vector<16xf32>,
        %add3A_643 = arith.constant 14 : i32
        %add3A_644 = arith.addi %mul3A_94, %add3A_643 : i32
        %swap3A_645 = arith.index_cast %add3A_644 : i32 to index
        %swap3A_646 = arith.constant 16 : index
        %swap3A_647 = tpu.vector_load %arg9[%swap3A_645, %swap3A_646] {strides = array<i32>} : memref<400x64xf32, #tpu.memory_space<vmem>>, vector<16xf32>,
        tpu.vector_store %arg9[%swap3A_645, %swap3A_646], %get3A_642 {strides = array<i32>} : memref<400x64xf32, #tpu.memory_space<vmem>>, vector<16xf32>,
        %add3A_648 = arith.constant 32 : i32
        %add3A_649 = arith.addi %squeeze3A_629, %add3A_648 : i32
        %get3A_650 = arith.index_cast %add3A_649 : i32 to index
        %get3A_651 = tpu.vector_load %arg5[%get3A_650] {strides = array<i32>} : memref<14784xf32, #tpu.memory_space<vmem>>, vector<16xf32>,
        %add3A_652 = arith.constant 14 : i32
        %add3A_653 = arith.addi %mul3A_94, %add3A_652 : i32
        %swap3A_654 = arith.index_cast %add3A_653 : i32 to index
        %swap3A_655 = arith.constant 32 : index
        %swap3A_656 = tpu.vector_load %arg9[%swap3A_654, %swap3A_655] {strides = array<i32>} : memref<400x64xf32, #tpu.memory_space<vmem>>, vector<16xf32>,
        tpu.vector_store %arg9[%swap3A_654, %swap3A_655], %get3A_651 {strides = array<i32>} : memref<400x64xf32, #tpu.memory_space<vmem>>, vector<16xf32>,
        %add3A_657 = arith.constant 48 : i32
        %add3A_658 = arith.addi %squeeze3A_629, %add3A_657 : i32
        %get3A_659 = arith.index_cast %add3A_658 : i32 to index
        %get3A_660 = tpu.vector_load %arg5[%get3A_659] {strides = array<i32>} : memref<14784xf32, #tpu.memory_space<vmem>>, vector<16xf32>,
        %add3A_661 = arith.constant 14 : i32
        %add3A_662 = arith.addi %mul3A_94, %add3A_661 : i32
        %swap3A_663 = arith.index_cast %add3A_662 : i32 to index
        %swap3A_664 = arith.constant 48 : index
        %swap3A_665 = tpu.vector_load %arg9[%swap3A_663, %swap3A_664] {strides = array<i32>} : memref<400x64xf32, #tpu.memory_space<vmem>>, vector<16xf32>,
        tpu.vector_store %arg9[%swap3A_663, %swap3A_664], %get3A_660 {strides = array<i32>} : memref<400x64xf32, #tpu.memory_space<vmem>>, vector<16xf32>,
        %slice3A_666 = vector.extract_strided_slice %mul3A_98 {offsets = [15], sizes = [1], strides = [1]} : vector<16xi32> to vector<1xi32>
        %squeeze3A_667 = vector.extract %slice3A_666[0] : i32 from vector<1xi32>
        %add3A_668 = arith.constant 0 : i32
        %add3A_669 = arith.addi %squeeze3A_667, %add3A_668 : i32
        %get3A_670 = arith.index_cast %add3A_669 : i32 to index
        %get3A_671 = tpu.vector_load %arg5[%get3A_670] {strides = array<i32>} : memref<14784xf32, #tpu.memory_space<vmem>>, vector<16xf32>,
        %add3A_672 = arith.constant 15 : i32
        %add3A_673 = arith.addi %mul3A_94, %add3A_672 : i32
        %swap3A_674 = arith.index_cast %add3A_673 : i32 to index
        %swap3A_675 = arith.constant 0 : index
        %swap3A_676 = tpu.vector_load %arg9[%swap3A_674, %swap3A_675] {strides = array<i32>} : memref<400x64xf32, #tpu.memory_space<vmem>>, vector<16xf32>,
        tpu.vector_store %arg9[%swap3A_674, %swap3A_675], %get3A_671 {strides = array<i32>} : memref<400x64xf32, #tpu.memory_space<vmem>>, vector<16xf32>,
        %add3A_677 = arith.constant 16 : i32
        %add3A_678 = arith.addi %squeeze3A_667, %add3A_677 : i32
        %get3A_679 = arith.index_cast %add3A_678 : i32 to index
        %get3A_680 = tpu.vector_load %arg5[%get3A_679] {strides = array<i32>} : memref<14784xf32, #tpu.memory_space<vmem>>, vector<16xf32>,
        %add3A_681 = arith.constant 15 : i32
        %add3A_682 = arith.addi %mul3A_94, %add3A_681 : i32
        %swap3A_683 = arith.index_cast %add3A_682 : i32 to index
        %swap3A_684 = arith.constant 16 : index
        %swap3A_685 = tpu.vector_load %arg9[%swap3A_683, %swap3A_684] {strides = array<i32>} : memref<400x64xf32, #tpu.memory_space<vmem>>, vector<16xf32>,
        tpu.vector_store %arg9[%swap3A_683, %swap3A_684], %get3A_680 {strides = array<i32>} : memref<400x64xf32, #tpu.memory_space<vmem>>, vector<16xf32>,
        %add3A_686 = arith.constant 32 : i32
        %add3A_687 = arith.addi %squeeze3A_667, %add3A_686 : i32
        %get3A_688 = arith.index_cast %add3A_687 : i32 to index
        %get3A_689 = tpu.vector_load %arg5[%get3A_688] {strides = array<i32>} : memref<14784xf32, #tpu.memory_space<vmem>>, vector<16xf32>,
        %add3A_690 = arith.constant 15 : i32
        %add3A_691 = arith.addi %mul3A_94, %add3A_690 : i32
        %swap3A_692 = arith.index_cast %add3A_691 : i32 to index
        %swap3A_693 = arith.constant 32 : index
        %swap3A_694 = tpu.vector_load %arg9[%swap3A_692, %swap3A_693] {strides = array<i32>} : memref<400x64xf32, #tpu.memory_space<vmem>>, vector<16xf32>,
        tpu.vector_store %arg9[%swap3A_692, %swap3A_693], %get3A_689 {strides = array<i32>} : memref<400x64xf32, #tpu.memory_space<vmem>>, vector<16xf32>,
        %add3A_695 = arith.constant 48 : i32
        %add3A_696 = arith.addi %squeeze3A_667, %add3A_695 : i32
        %get3A_697 = arith.index_cast %add3A_696 : i32 to index
        %get3A_698 = tpu.vector_load %arg5[%get3A_697] {strides = array<i32>} : memref<14784xf32, #tpu.memory_space<vmem>>, vector<16xf32>,
        %add3A_699 = arith.constant 15 : i32
        %add3A_700 = arith.addi %mul3A_94, %add3A_699 : i32
        %swap3A_701 = arith.index_cast %add3A_700 : i32 to index
        %swap3A_702 = arith.constant 48 : index
        %swap3A_703 = tpu.vector_load %arg9[%swap3A_701, %swap3A_702] {strides = array<i32>} : memref<400x64xf32, #tpu.memory_space<vmem>>, vector<16xf32>,
        tpu.vector_store %arg9[%swap3A_701, %swap3A_702], %get3A_698 {strides = array<i32>} : memref<400x64xf32, #tpu.memory_space<vmem>>, vector<16xf32>,
      }
      %scan3A_73 = arith.constant 25 : i32
      %mul3A_74 = arith.constant 400 : i32
      %mul3A_75 = arith.muli %add3A_58, %mul3A_74 : i32
      %add3A_76 = arith.addi %mul3A_2, %mul3A_75 : i32
      %dma_start3A_77 = arith.constant 0 : i32
      %dma_start3A_78 = tpu.memref_slice %arg4[%add3A_76, %dma_start3A_77] : memref<3276800x64xf32, #tpu.memory_space<hbm>> -> memref<400x64xf32, #tpu.memory_space<hbm>>
      %dma_start3A_79 = arith.constant 0 : i32
      %dma_start3A_80 = tpu.memref_slice %arg4[%add3A_76, %dma_start3A_79] : memref<3276800x64xf32, #tpu.memory_space<hbm>> -> memref<400x64xf32, #tpu.memory_space<hbm>>
      tpu.enqueue_dma source(%arg9 : memref<400x64xf32, #tpu.memory_space<vmem>>) target(%dma_start3A_80 : memref<400x64xf32, #tpu.memory_space<hbm>>) target_semaphore(%arg14 : memref<!tpu.dma_semaphore, #tpu.memory_space<semaphore_mem>>)
      %add3A_81 = arith.constant 2 : i32
      %add3A_82 = arith.addi %add3A_58, %add3A_81 : i32
      %lt3A_83 = arith.constant 256 : i32
      %lt3A_84 = arith.cmpi slt, %add3A_82, %lt3A_83 : i32
      %convert_element_type3A_85 = arith.extui %lt3A_84 : i1 to i32
      %cond3A_86 = arith.constant 0 : i32
      %cond3A_87 = arith.cmpi ne, %convert_element_type3A_85, %cond3A_86 : i32
      scf.if %cond3A_87 {
        %add3A_88 = arith.constant 2 : i32
        %add3A_89 = arith.addi %add3A_58, %add3A_88 : i32
        %mul3A_90 = arith.constant 400 : i32
        %mul3A_91 = arith.muli %add3A_89, %mul3A_90 : i32
        %add3A_92 = arith.addi %mul3A_2, %mul3A_91 : i32
        %dma_start3A_93 = tpu.memref_slice %arg3[%add3A_92] : memref<3276800xi32, #tpu.memory_space<hbm>> -> memref<400xi32, #tpu.memory_space<hbm>>
        %dma_start3A_94 = tpu.memref_slice %arg3[%add3A_92] : memref<3276800xi32, #tpu.memory_space<hbm>> -> memref<400xi32, #tpu.memory_space<hbm>>
        tpu.enqueue_dma source(%dma_start3A_94 : memref<400xi32, #tpu.memory_space<hbm>>) target(%arg7 : memref<400xi32, #tpu.memory_space<vmem>>) target_semaphore(%arg12 : memref<!tpu.dma_semaphore, #tpu.memory_space<semaphore_mem>>)
      } else {
      }
    }
    %scan3A_13 = arith.constant 128 : i32
    %add3A_14 = arith.constant 101600 : i32
    %add3A_15 = arith.addi %mul3A_2, %add3A_14 : i32
    %dma_wait3A = arith.constant 0 : i32
    %dma_wait3A_16 = tpu.memref_slice %arg4[%add3A_15, %dma_wait3A] : memref<3276800x64xf32, #tpu.memory_space<hbm>> -> memref<400x64xf32, #tpu.memory_space<hbm>>
    %dma_wait3A_17 = arith.constant 0 : i32
    %dma_wait3A_18 = tpu.memref_slice %arg4[%add3A_15, %dma_wait3A_17] : memref<3276800x64xf32, #tpu.memory_space<hbm>> -> memref<400x64xf32, #tpu.memory_space<hbm>>
    tpu.wait_dma2 semaphore(%arg13 : memref<!tpu.dma_semaphore, #tpu.memory_space<semaphore_mem>>) src(%arg8 : memref<400x64xf32, #tpu.memory_space<vmem>>) dst(%dma_wait3A_18 : memref<400x64xf32, #tpu.memory_space<hbm>>)
    %add3A_19 = arith.constant 102000 : i32
    %add3A_20 = arith.addi %mul3A_2, %add3A_19 : i32
    %dma_wait3A_21 = arith.constant 0 : i32
    %dma_wait3A_22 = tpu.memref_slice %arg4[%add3A_20, %dma_wait3A_21] : memref<3276800x64xf32, #tpu.memory_space<hbm>> -> memref<400x64xf32, #tpu.memory_space<hbm>>
    %dma_wait3A_23 = arith.constant 0 : i32
    %dma_wait3A_24 = tpu.memref_slice %arg4[%add3A_20, %dma_wait3A_23] : memref<3276800x64xf32, #tpu.memory_space<hbm>> -> memref<400x64xf32, #tpu.memory_space<hbm>>
    tpu.wait_dma2 semaphore(%arg14 : memref<!tpu.dma_semaphore, #tpu.memory_space<semaphore_mem>>) src(%arg9 : memref<400x64xf32, #tpu.memory_space<vmem>>) dst(%dma_wait3A_24 : memref<400x64xf32, #tpu.memory_space<hbm>>)
    return
  }
}

</mosaic_0001>

<sc_bundles>
// kernel: _sc_embed.3.cloned.1.call-start
scs
__scs_entry_jumppad:
0x0: {  	(pc) =	sbr.rel $0x88, $3  }
0x1: {  	(tag) =	ssettag $0x0;
	lr =	simm.s32 $0x1  }
0x2: {  	[smem:$0x3F9F] =	sst lr;
	_ =	strace $0xD0000000  }
0x3: {  	_ = 	snop  }
0x4: {  	_ = 	snop  }
0x5: {  	_ = 	snop  }
0x6: {  	_ = 	snop  }
0x7: {  	_ = 	snop  }
__scs_overlays_trampoline_lowered:
0x8: {  	[smem:$0x3FAE] =	sst s0  }
0x9: {  	[smem:$0x3FAF] =	sst s1  }
0xa: {  	[smem:$0x3FB0] =	sst s2  }
0xb: {  	[smem:$0x3FB1] =	sst s3  }
0xc: {  	[smem:$0x3FB2] =	sst s4  }
0xd: {  	[smem:$0x3FB3] =	sst s5  }
0xe: {  	[smem:$0x3FB4] =	sst s6  }
0xf: {  	[smem:$0x3FB5] =	sst s7  }
0x10: {  	[smem:$0x3FB6] =	sst s8  }
0x11: {  	[smem:$0x3FB7] =	sst s9;
	s0 =	simm.s32 @!p0 $0x0  }
0x12: {  	s1 =	sld [smem:$0x3F9D];
	s0 =	simm.s32 @p0 $0x1  }
0x13: {  	[smem:$0x3FB8] =	sst s0;
	s0 =	simm.s32 @!p1 $0x0  }
0x14: {  	s2 =	sld [smem:$0x3F9C];
	s0 =	simm.s32 @p1 $0x1  }
0x15: {  	[smem:$0x3FB9] =	sst s0;
	s0 =	simm.s32 @!p2 $0x0  }
0x16: {  	s3 =	sld [smem:$0x3FDB];
	s0 =	simm.s32 @p2 $0x1  }
0x17: {  	s4 =	simm.s32 $0x1BF5;
	[smem:$0x3FBB] =	sst s0  }
0x18: {  	s0 =	sld [smem:$0x3F9E];
	_ =	swait.ge [sflag:s4], $0x0  }
0x19: {  	s7 =	sld [smem:$0x3F9F]  }
0x1a: {  	s8 =	sadd.s32 $0xFFFFE003, lr  }
0x1b: {  	s9 =	sadd.s32 $0xFFFFFEF7, lr;
	s5 =	simm.s32 $0xFFFFFFFF;
	p2 =	slt.u32 s8, $0xFFFFF086  }
0x1c: {  	p1 =	slt.u32 s9, $0xF7A;
	s5 =	simm.s32 @!p2 $0x0  }
0x1d: {  	s5 =	simm.s32 @p1 $0x1;
	p0 =	seq.s32 s7, s2  }
0x1e: {  	s7 =	smul.u32 @!p0 $0xF7A, s2;
	p2 =	seq.s32 @!p0 s5, $0x0  }
0x1f: {  	s9 =	smul.u32 $0xF7A, s1;
	s8 =	simm.s32 @!p0 $0x1BF5;
	p2 =	por !p2, p0  }
0x20: {  	[sflag:s8] =	ssyncset.s32 @!p0 $0xFFFFF086;
	s6 =	sadd.s32 @!p0 s3, s7;
	s7 =	simm.s32 @!p0 $0x108  }
0x21: {  	s3 =	sadd.s32 s3, s9;
	s6 =	sadd.s32 @!p0 $0x88, s6;
	s7 =	simm.s32 @p2 $0x1082  }
0x22: {  	[simem:s7], [sflag:s8] =	dma.local @!p0 [hbm:s6], $0xF7A  }
0x23: {  	s9 =	sor.u32 $0xD0000000, s2;
	s6 =	simm.s32 $0x108;
	_ =	swait.ge @!p0 [sflag:s8], $0x0  }
0x24: {  	s3 =	sadd.s32 $0x88, s3;
	s6 =	simm.s32 @!p1 $0x1082;
	[sflag:s4] =	ssyncset.s32 $0xFFFFF086  }
0x25: {  	[simem:s6], [sflag:s4] =	dma.local [hbm:s3], $0xF7A  }
0x26: {  	[smem:$0x3F9F] =	sst s1;
	(tag) =	ssettag s2;
	_ =	strace s9  }
0x27: {  	s1 =	sld [smem:$0x3FAF]  }
0x28: {  	s2 =	sld [smem:$0x3FB0]  }
0x29: {  	s4 =	sld [smem:$0x3FB2]  }
0x2a: {  	p0 =	seq.s32 s5, $0x0;
	s5 =	sld [smem:$0x3FB3]  }
0x2b: {  	s6 =	sld [smem:$0x3FB4]  }
0x2c: {  	s7 =	sld [smem:$0x3FB5]  }
0x2d: {  	s3 =	simm.s32 $0x108;
	s8 =	sld [smem:$0x3FB6]  }
0x2e: {  	s3 =	simm.s32 @!p0 $0x1082;
	s9 =	sld [smem:$0x3FB7]  }
0x2f: {  	lr =	sadd.s32 s0, s3;
	s0 =	sld [smem:$0x3FAE]  }
0x30: {  	s3 =	sld [smem:$0x3FB1]  }
0x31: {  	[smem:$0x3FBA] =	sst s10  }
0x32: {  	s10 =	sld [smem:$0x3FB8];
	_ =	sdelay $0x3  }
0x33: {  	p0 =	seq.s32 s10, $0x1;
	s10 =	sld [smem:$0x3FBA];
	_ =	sdelay $0x3  }
0x34: {  	[smem:$0x3FBA] =	sst s10  }
0x35: {  	s10 =	sld [smem:$0x3FB9];
	_ =	sdelay $0x3  }
0x36: {  	p1 =	seq.s32 s10, $0x1;
	s10 =	sld [smem:$0x3FBA];
	_ =	sdelay $0x3  }
0x37: {  	[smem:$0x3FBA] =	sst s10  }
0x38: {  	s10 =	sld [smem:$0x3FBB]  }
0x39: {  	_ = 	snop;
	(pc) =	sbr.ind lr, $3  }
0x3a: {  	_ = 	snop  }
0x3b: {  	_ = 	snop  }
0x3c: {  	p2 =	seq.s32 s10, $0x1;
	s10 =	sld [smem:$0x3FBA]  }
0x3d: {  	_ =	shalt  }
0x3e: {  	_ =	shalt  }
0x3f: {  	_ =	shalt  }
0x40: {  	_ =	shalt  }
0x41: {  	_ =	shalt  }
0x42: {  	_ =	shalt  }
0x43: {  	_ =	shalt  }
0x44: {  	_ =	shalt  }
0x45: {  	_ =	shalt  }
0x46: {  	_ =	shalt  }
0x47: {  	_ =	shalt  }
0x48: {  	_ =	shalt  }
0x49: {  	_ =	shalt  }
0x4a: {  	_ =	shalt  }
0x4b: {  	_ =	shalt  }
0x4c: {  	_ =	shalt  }
0x4d: {  	_ =	shalt  }
0x4e: {  	_ =	shalt  }
0x4f: {  	_ =	shalt  }
0x50: {  	_ =	shalt  }
0x51: {  	_ =	shalt  }
0x52: {  	_ =	shalt  }
0x53: {  	_ =	shalt  }
0x54: {  	_ =	shalt  }
0x55: {  	_ =	shalt  }
0x56: {  	_ =	shalt  }
0x57: {  	_ =	shalt  }
0x58: {  	_ =	shalt  }
0x59: {  	_ =	shalt  }
0x5a: {  	_ =	shalt  }
0x5b: {  	_ =	shalt  }
0x5c: {  	_ =	shalt  }
0x5d: {  	_ =	shalt  }
0x5e: {  	_ =	shalt  }
0x5f: {  	_ =	shalt  }
0x60: {  	_ =	shalt  }
0x61: {  	_ =	shalt  }
0x62: {  	_ =	shalt  }
0x63: {  	_ =	shalt  }
0x64: {  	_ =	shalt  }
0x65: {  	_ =	shalt  }
0x66: {  	_ =	shalt  }
0x67: {  	_ =	shalt  }
0x68: {  	_ =	shalt  }
0x69: {  	_ =	shalt  }
0x6a: {  	_ =	shalt  }
0x6b: {  	_ =	shalt  }
0x6c: {  	_ =	shalt  }
0x6d: {  	_ =	shalt  }
0x6e: {  	_ =	shalt  }
0x6f: {  	_ =	shalt  }
0x70: {  	_ =	shalt  }
0x71: {  	_ =	shalt  }
0x72: {  	_ =	shalt  }
0x73: {  	_ =	shalt  }
0x74: {  	_ =	shalt  }
0x75: {  	_ =	shalt  }
0x76: {  	_ =	shalt  }
0x77: {  	_ =	shalt  }
0x78: {  	_ =	shalt  }
0x79: {  	_ =	shalt  }
0x7a: {  	_ =	shalt  }
0x7b: {  	_ =	shalt  }
0x7c: {  	_ =	shalt  }
0x7d: {  	_ =	shalt  }
0x7e: {  	_ =	shalt  }
0x7f: {  	_ =	shalt  }
0x80: {  	_ =	shalt  }
0x81: {  	_ =	shalt  }
0x82: {  	_ =	shalt  }
0x83: {  	_ =	shalt  }
0x84: {  	_ =	shalt  }
0x85: {  	_ =	shalt  }
0x86: {  	_ =	shalt  }
0x87: {  	_ =	shalt  }
.Lfunc_end0:
.L_simem_size_0:
called_computation_lowered:
.L_overlay_start_0:
0x88: {  	s2 =	sld [smem:$0x3FD9]  }
0x89: {  	s3 =	sld [smem:$0x3FFE];
	_ =	sdelay $0x1  }
0x8a: {  	s1 =	srdreg.scid  }
0x8b: {  	s0 =	sand.u32 $0x1, s1  }
0x8c: {  	s17 =	sshll.u32 s0, $0xA;
	s2 =	sadd.s32 s3, s2  }
0x8d: {  	s2 =	sadd.s32 s2, s17  }
0x8e: {  	[smem:$0x3FC6] =	sst s2  }
0x8f: {  	_ = 	snop  }
0x90: {  	s2 =	sld [smem:$0x3FC8]  }
0x91: {  	s18 =	sld [smem:$0x3FD0];
	(tm) =	ssettm $0x1  }
0x92: {  	s4 =	sld [smem:$0x3FFB];
	_ =	sdelay $0x3  }
0x93: {  	_ =	strace s4  }
0x94: {  	s4 =	sld [smem:$0x3FFC];
	_ =	sdelay $0x3  }
0x95: {  	_ =	strace s4  }
0x96: {  	s4 =	sld [smem:$0x3FFD];
	_ =	sdelay $0x3  }
0x97: {  	_ =	strace s4  }
0x98: {  	_ =	strace $0x8FFFFFFF  }
0x99: {  	s19 =	sld [smem:$0x3FDB];
	_ =	sdelay $0x1  }
0x9a: {  	s5 =	simm.s32 $_scs_section_size  }
0x9b: {  	s6 =	simm.s32 $_size__tile_overlayer_lowered;
	s7 =	simm.s32 $_tile_overlayer_lowered  }
0x9c: {  	s22 =	simm.s32 $0x1BFF;
	s21 =	sshll.u32 s7, $0x1;
	s4 =	sadd.s32 s5, s19  }
0x9d: {  	s8 =	simm.s32 $0x0;
	s20 =	sshll.u32 s6, $0x1;
	s6 =	sadd.s32 s21, s4  }
0x9e: {  	[timem:s8], [sflag:s22] =	dma.local [hbm:s6], s20  }
0x9f: {  	_ =	swait.ge [sflag:s22], s20  }
0xa0: {  	s5 =	ssub.s32 $0x0, s20;
	[sflag:s22] =	ssyncset.done $0x0  }
0xa1: {  	[sflag:s22] =	ssyncadd.s32 s5;
	_ =	sdelay $0x1  }
0xa2: {  	s23 =	simm.s32 $0x1B8B  }
0xa3: {  	_ =	swait.ge [sflag:s23], $0x1  }
0xa4: {  	[sflag:s23] =	ssyncset.done $0x0  }
0xa5: {  	s25 =	simm.s32 $0x1B8E;
	s24 =	sld [smem:$0x3FFE];
	[sflag:s23] =	ssyncadd.s32 $0xFFFFFFFF  }
0xa6: {  	s26 =	simm.s32 $execute0_lowered;
	[smem:$0x3FD2] =	sst s25  }
0xa7: {  	s6 =	sshll.u32 s26, $0x1;
	_ =	strace $0x80000046;
	[dreg:$0x1] =	wrdreg $0xFFFFFFFF  }
0xa8: {  	s28 =	simm.s32 $_size_execute0_lowered;
	s4 =	sadd.s32 s4, s6;
	[dreg:$0x0] =	wrdreg $0x0  }
0xa9: {  	s6 =	sshll.u32 s28, $0x1;
	[dreg:$0x2] =	wrdreg s4  }
0xaa: {  	[dreg:$0x3] =	wrdreg s6  }
0xab: {  	[dreg:$0x4] =	wrdreg $0xC0  }
0xac: {  	_ =	task [dreg:s8], $0x5FFFF  }
0xad: {  	[dreg:$0x1] =	wrdreg $0xFFFFFFFF  }
0xae: {  	[dreg:$0x0] =	wrdreg $0x60  }
0xaf: {  	[dreg:$0x2] =	wrdreg s18  }
0xb0: {  	[dreg:$0x3] =	wrdreg s2  }
0xb1: {  	[dreg:$0x4] =	wrdreg s24  }
0xb2: {  	[dreg:$0x5] =	wrdreg $0x9  }
0xb3: {  	_ =	task.clear_ibuf [dreg:s8], $0x6FFFF;
	_ =	strace $0x90000046  }
0xb4: {  	s29 =	simm.s32 $0x9;
	_ =	strace $0x80000048  }
0xb5: {  	_ =	swait.ge [sflag:s29], $0x1  }
0xb6: {  	[sflag:s29] =	ssyncadd.s32 $0xFFFFFFFF  }
0xb7: {  	_ =	strace $0x90000048  }
0xb8: {  	_ =	sfence  }
0xb9: {  	s30 =	sld [smem:$0x0];
	_ =	sdelay $0x2  }
0xba: {  	s31 =	sshll.u32 s1, $0xD;
	s1 =	sshrl.u32 s1, $0x2  }
0xbb: {  	s3 =	sand.u32 $0x4000, s31;
	s1 =	sadd.s32 s1, s30  }
0xbc: {  	s0 =	sor.u32 s3, s0;
	s1 =	sshll.u32 s1, $0x11  }
0xbd: {  	s0 =	sor.u32 s1, s0  }
0xbe: {  	s0 =	sadd.s32 $0x8F2B, s0  }
0xbf: {  	[sflag:s0] =	ssyncadd.remote.s32 $0x1  }
0xc0: {  	_ =	sfence.sel $0xFFFF  }
0xc1: {  	[dreg:$0x0] =	wrdreg $0xFFFFFFFF;
	(pc) =	sbr.abs _section_cstart, $3  }
0xc2: {  	[dreg:$0x1] =	wrdreg $0xFFFFFFFF  }
0xc3: {  	_ =	task.clear_ibuf [dreg:s8], $0x2FFFF;
	_ =	strace $0x9FFFFFFF  }
0xc4: {  	(tm) =	ssettm $0x7FFFFFFF  }
0xc5: {  	_ =	shalt  }
tec
execute0_lowered:
.L_overlay_start_1:
0x0: {  	(tag) =	ssettag $0x1  }
0x1: {  	s1 =	rddreg [dreg:$0x0]  }
0x2: {  	s2 =	srdreg.scid;
	s3 =	rddreg [dreg:$0x1]  }
0x3: {  	s0 =	stileid.u32;
	s7 =	rddreg [dreg:$0x2]  }
0x4: {  	s4 =	simm.s32 $0x0;
	s13 =	simm.s32 $0x3A00;
	s14 =	simm.s32 $0x3C00  }
0x5: {  	s15 =	simm.s32 $0x1;
	s16 =	simm.s32 $0x2;
	s17 =	simm.s32 $0x3E00  }
0x6: {  	s18 =	simm.s32 $0x3;
	s6 =	sand.u32 $0x1, s2;
	s31 =	sshll.u32 s0, $0x1  }
0x7: {  	s19 =	simm.s32 $0x10600;
	s20 =	simm.s32 $0x4;
	s5 =	sor.u32 s6, s31  }
0x8: {  	s21 =	simm.s32 $0x5;
	s22 =	simm.s32 $0x0;
	s5 =	smul.u32 $0x19000, s5  }
.Ltmp0:
0x9: {  	[smem:$0x7FF] =	sst s4;
	s8 =	ssub.s32 $0x2, s6;
	(pc) =	sbr.rel .LBB2_1-.Ltmp0, $4  }
0xa: {  	s2 =	rddreg [dreg:$0x3];
	_ =	strace $0x80000047;
	s9 =	sshrl.u32 s8, $0x1  }
0xb: {  	s6 =	sadd.s32 $0x400, s7;
	s12 =	ssub.s32 s8, s9;
	s10 =	sshrl.u32 s5, $0x3  }
0xc: {  	s9 =	sor.u32 $0x320, s5;
	s11 =	sor.u32 $0x4B0, s5;
	s7 =	sadd.s32 s3, s10  }
0xd: {  	s12 =	smax.u32 s12, $0x1;
	s10 =	sor.u32 $0x190, s5;
	s8 =	sadd.s32 $0x32, s7  }
.LBB2_8:
0xe: {  	s22 =	sadd.s32 $0x1, s22  }
0xf: {  	_ =	swait.ge [sflag:s20], $0xC800;
	p0 =	sne.s32 s22, s12  }
.Ltmp1:
0x10: {  	[sflag:s20] =	ssyncset.done $0x0;
	(pc) =	sbr.rel @!p0 .LBB2_9-.Ltmp1, $4  }
0x11: {  	[sflag:s20] =	ssyncadd.s32 $0xFFFF3800  }
0x12: {  	_ =	swait.ge [sflag:s21], $0xC800  }
0x13: {  	[sflag:s21] =	ssyncset.done $0x0  }
0x14: {  	[sflag:s21] =	ssyncadd.s32 $0xFFFF3800  }
.LBB2_1:
0x15: {  	[tilespmem:s4], [sflag:$0x1] =	stream.linear.gather [hbm4b:s1+s4], $0x3A00, $0x38;
	[tilespmem:$0x1CE00] =	vst v63  }
0x16: {  	_ = 	snop  }
0x17: {  	[tilespmem:s13], [sflag:$0x2] =	stream.linear.gather [hbm4b:s7+s4], $0x190, $0x38;
	[tilespmem:$0x1CE00] =	vst v63  }
0x18: {  	_ = 	snop  }
0x19: {  	[tilespmem:s14], [sflag:$0x3] =	stream.linear.gather [hbm4b:s8+s4], $0x190, $0x38;
	[tilespmem:$0x1CE00] =	vst v63  }
0x1a: {  	_ =	swait.ge [sflag:s15], $0x3A00  }
0x1b: {  	[sflag:s15] =	ssyncset.done $0x0  }
0x1c: {  	s23 =	simm.s32 $0x0;
	[sflag:s15] =	ssyncadd.s32 $0xFFFFC600  }
.LBB2_2:
0x1d: {  	p0 =	seq.s32 s23, $0x0  }
0x1e: {  	s24 =	simm.s32 @!p0 $0x4  }
0x1f: {  	_ =	swait.ge @!p0 [sflag:s24], $0xC800  }
0x20: {  	[sflag:s24] =	ssyncset.done @!p0 $0x0  }
0x21: {  	[sflag:s24] =	ssyncadd.s32 @!p0 $0xFFFF3800  }
0x22: {  	_ =	swait.ge [sflag:s16], $0x190  }
0x23: {  	[sflag:s16] =	ssyncset.done $0x0  }
0x24: {  	s25 =	simm.s32 $0x4200;
	s24 =	simm.s32 $0x0;
	[sflag:s16] =	ssyncadd.s32 $0xFFFFFE70  }
.LBB2_3:
0x25: {  	s26 =	sshra.s32 s24, $0x2  }
0x26: {  	v0 =	vld [tilespmem:s26+$0x3A00];
	_ =	sdelay $0x4  }
0x27: {  	v0 =	vshll.u32 v0, $0x6  }
0x28: {  	(v2sf) =	vpush v0, $0x0;
	_ =	sdelay $0xe  }
0x29: {  	s28 =	spop (v2sf)  }
0x2a: {  	v1 =	vld [tilespmem:s28+$0x0];
	_ =	sdelay $0x4  }
0x2b: {  	[tilespmem:s25+$0xFFFFFC00] =	vst v1  }
0x2c: {  	v1 =	vld [tilespmem:s28+$0x10];
	_ =	sdelay $0x1  }
0x2d: {  	(v2sf) =	vpush v0, $0x1;
	_ =	sdelay $0x2  }
0x2e: {  	[tilespmem:s25+$0xFFFFFC10] =	vst v1  }
0x2f: {  	v1 =	vld [tilespmem:s28+$0x20];
	_ =	sdelay $0x4  }
0x30: {  	[tilespmem:s25+$0xFFFFFC20] =	vst v1  }
0x31: {  	v1 =	vld [tilespmem:s28+$0x30];
	_ =	sdelay $0x4  }
0x32: {  	s29 =	spop (v2sf);
	[tilespmem:s25+$0xFFFFFC30] =	vst v1  }
0x33: {  	v1 =	vld [tilespmem:s29+$0x0];
	_ =	sdelay $0x4  }
0x34: {  	[tilespmem:s25+$0xFFFFFC80] =	vst v1  }
0x35: {  	v1 =	vld [tilespmem:s29+$0x10];
	_ =	sdelay $0x1  }
0x36: {  	(v2sf) =	vpush v0, $0x2;
	_ =	sdelay $0x2  }
0x37: {  	[tilespmem:s25+$0xFFFFFC90] =	vst v1  }
0x38: {  	v1 =	vld [tilespmem:s29+$0x20];
	_ =	sdelay $0x4  }
0x39: {  	[tilespmem:s25+$0xFFFFFCA0] =	vst v1  }
0x3a: {  	v1 =	vld [tilespmem:s29+$0x30];
	_ =	sdelay $0x4  }
0x3b: {  	s30 =	spop (v2sf);
	[tilespmem:s25+$0xFFFFFCB0] =	vst v1  }
0x3c: {  	v1 =	vld [tilespmem:s30+$0x0];
	_ =	sdelay $0x4  }
0x3d: {  	[tilespmem:s25+$0xFFFFFD00] =	vst v1  }
0x3e: {  	v1 =	vld [tilespmem:s30+$0x10];
	_ =	sdelay $0x1  }
0x3f: {  	(v2sf) =	vpush v0, $0x3;
	_ =	sdelay $0x2  }
0x40: {  	[tilespmem:s25+$0xFFFFFD10] =	vst v1  }
0x41: {  	v1 =	vld [tilespmem:s30+$0x20];
	_ =	sdelay $0x4  }
0x42: {  	[tilespmem:s25+$0xFFFFFD20] =	vst v1  }
0x43: {  	v1 =	vld [tilespmem:s30+$0x30];
	_ =	sdelay $0x4  }
0x44: {  	s31 =	spop (v2sf);
	[tilespmem:s25+$0xFFFFFD30] =	vst v1  }
0x45: {  	v1 =	vld [tilespmem:s31+$0x0];
	_ =	sdelay $0x4  }
0x46: {  	[tilespmem:s25+$0xFFFFFD80] =	vst v1  }
0x47: {  	v1 =	vld [tilespmem:s31+$0x10];
	_ =	sdelay $0x1  }
0x48: {  	(v2sf) =	vpush v0, $0x4;
	_ =	sdelay $0x2  }
0x49: {  	[tilespmem:s25+$0xFFFFFD90] =	vst v1  }
0x4a: {  	v1 =	vld [tilespmem:s31+$0x20];
	_ =	sdelay $0x4  }
0x4b: {  	[tilespmem:s25+$0xFFFFFDA0] =	vst v1  }
0x4c: {  	v1 =	vld [tilespmem:s31+$0x30];
	_ =	sdelay $0x4  }
0x4d: {  	s28 =	spop (v2sf);
	[tilespmem:s25+$0xFFFFFDB0] =	vst v1  }
0x4e: {  	v1 =	vld [tilespmem:s28+$0x0];
	_ =	sdelay $0x4  }
0x4f: {  	[tilespmem:s25+$0xFFFFFE00] =	vst v1  }
0x50: {  	v1 =	vld [tilespmem:s28+$0x10];
	_ =	sdelay $0x1  }
0x51: {  	(v2sf) =	vpush v0, $0x5;
	_ =	sdelay $0x2  }
0x52: {  	[tilespmem:s25+$0xFFFFFE10] =	vst v1  }
0x53: {  	v1 =	vld [tilespmem:s28+$0x20];
	_ =	sdelay $0x4  }
0x54: {  	[tilespmem:s25+$0xFFFFFE20] =	vst v1  }
0x55: {  	v1 =	vld [tilespmem:s28+$0x30];
	_ =	sdelay $0x4  }
0x56: {  	s29 =	spop (v2sf);
	[tilespmem:s25+$0xFFFFFE30] =	vst v1  }
0x57: {  	v1 =	vld [tilespmem:s29+$0x0];
	_ =	sdelay $0x4  }
0x58: {  	[tilespmem:s25+$0xFFFFFE80] =	vst v1  }
0x59: {  	v1 =	vld [tilespmem:s29+$0x10];
	_ =	sdelay $0x1  }
0x5a: {  	(v2sf) =	vpush v0, $0x6;
	_ =	sdelay $0x2  }
0x5b: {  	[tilespmem:s25+$0xFFFFFE90] =	vst v1  }
0x5c: {  	v1 =	vld [tilespmem:s29+$0x20];
	_ =	sdelay $0x4  }
0x5d: {  	[tilespmem:s25+$0xFFFFFEA0] =	vst v1  }
0x5e: {  	v1 =	vld [tilespmem:s29+$0x30];
	_ =	sdelay $0x4  }
0x5f: {  	s30 =	spop (v2sf);
	[tilespmem:s25+$0xFFFFFEB0] =	vst v1  }
0x60: {  	v1 =	vld [tilespmem:s30+$0x0];
	_ =	sdelay $0x4  }
0x61: {  	[tilespmem:s25+$0xFFFFFF00] =	vst v1  }
0x62: {  	v1 =	vld [tilespmem:s30+$0x10];
	_ =	sdelay $0x1  }
0x63: {  	(v2sf) =	vpush v0, $0x7;
	_ =	sdelay $0x2  }
0x64: {  	[tilespmem:s25+$0xFFFFFF10] =	vst v1  }
0x65: {  	v1 =	vld [tilespmem:s30+$0x20];
	_ =	sdelay $0x4  }
0x66: {  	[tilespmem:s25+$0xFFFFFF20] =	vst v1  }
0x67: {  	v1 =	vld [tilespmem:s30+$0x30];
	_ =	sdelay $0x4  }
0x68: {  	s31 =	spop (v2sf);
	[tilespmem:s25+$0xFFFFFF30] =	vst v1  }
0x69: {  	v1 =	vld [tilespmem:s31+$0x0];
	_ =	sdelay $0x4  }
0x6a: {  	[tilespmem:s25+$0xFFFFFF80] =	vst v1  }
0x6b: {  	v1 =	vld [tilespmem:s31+$0x10];
	_ =	sdelay $0x1  }
0x6c: {  	(v2sf) =	vpush v0, $0x8;
	_ =	sdelay $0x2  }
0x6d: {  	[tilespmem:s25+$0xFFFFFF90] =	vst v1  }
0x6e: {  	v1 =	vld [tilespmem:s31+$0x20];
	_ =	sdelay $0x4  }
0x6f: {  	[tilespmem:s25+$0xFFFFFFA0] =	vst v1  }
0x70: {  	v1 =	vld [tilespmem:s31+$0x30];
	_ =	sdelay $0x4  }
0x71: {  	s28 =	spop (v2sf);
	[tilespmem:s25+$0xFFFFFFB0] =	vst v1  }
0x72: {  	v1 =	vld [tilespmem:s28+$0x0];
	_ =	sdelay $0x4  }
0x73: {  	[tilespmem:s25+$0x0] =	vst v1  }
0x74: {  	v1 =	vld [tilespmem:s28+$0x10];
	_ =	sdelay $0x1  }
0x75: {  	(v2sf) =	vpush v0, $0x9;
	_ =	sdelay $0x2  }
0x76: {  	[tilespmem:s25+$0x10] =	vst v1  }
0x77: {  	v1 =	vld [tilespmem:s28+$0x20];
	_ =	sdelay $0x4  }
0x78: {  	[tilespmem:s25+$0x20] =	vst v1  }
0x79: {  	v1 =	vld [tilespmem:s28+$0x30];
	_ =	sdelay $0x4  }
0x7a: {  	s29 =	spop (v2sf);
	[tilespmem:s25+$0x30] =	vst v1  }
0x7b: {  	v1 =	vld [tilespmem:s29+$0x0];
	_ =	sdelay $0x4  }
0x7c: {  	[tilespmem:s25+$0x80] =	vst v1  }
0x7d: {  	v1 =	vld [tilespmem:s29+$0x10];
	_ =	sdelay $0x1  }
0x7e: {  	(v2sf) =	vpush v0, $0xA;
	_ =	sdelay $0x2  }
0x7f: {  	[tilespmem:s25+$0x90] =	vst v1  }
0x80: {  	v1 =	vld [tilespmem:s29+$0x20];
	_ =	sdelay $0x4  }
0x81: {  	[tilespmem:s25+$0xA0] =	vst v1  }
0x82: {  	v1 =	vld [tilespmem:s29+$0x30];
	_ =	sdelay $0x4  }
0x83: {  	s30 =	spop (v2sf);
	[tilespmem:s25+$0xB0] =	vst v1  }
0x84: {  	v1 =	vld [tilespmem:s30+$0x0];
	_ =	sdelay $0x4  }
0x85: {  	[tilespmem:s25+$0x100] =	vst v1  }
0x86: {  	v1 =	vld [tilespmem:s30+$0x10];
	_ =	sdelay $0x1  }
0x87: {  	(v2sf) =	vpush v0, $0xB;
	_ =	sdelay $0x2  }
0x88: {  	[tilespmem:s25+$0x110] =	vst v1  }
0x89: {  	v1 =	vld [tilespmem:s30+$0x20];
	_ =	sdelay $0x4  }
0x8a: {  	[tilespmem:s25+$0x120] =	vst v1  }
0x8b: {  	v1 =	vld [tilespmem:s30+$0x30];
	_ =	sdelay $0x4  }
0x8c: {  	s31 =	spop (v2sf);
	[tilespmem:s25+$0x130] =	vst v1  }
0x8d: {  	v1 =	vld [tilespmem:s31+$0x0];
	_ =	sdelay $0x4  }
0x8e: {  	[tilespmem:s25+$0x180] =	vst v1  }
0x8f: {  	v1 =	vld [tilespmem:s31+$0x10];
	_ =	sdelay $0x1  }
0x90: {  	(v2sf) =	vpush v0, $0xC;
	_ =	sdelay $0x2  }
0x91: {  	[tilespmem:s25+$0x190] =	vst v1  }
0x92: {  	v1 =	vld [tilespmem:s31+$0x20];
	_ =	sdelay $0x4  }
0x93: {  	[tilespmem:s25+$0x1A0] =	vst v1  }
0x94: {  	v1 =	vld [tilespmem:s31+$0x30];
	_ =	sdelay $0x4  }
0x95: {  	s28 =	spop (v2sf);
	[tilespmem:s25+$0x1B0] =	vst v1  }
0x96: {  	v1 =	vld [tilespmem:s28+$0x0];
	_ =	sdelay $0x4  }
0x97: {  	[tilespmem:s25+$0x200] =	vst v1  }
0x98: {  	v1 =	vld [tilespmem:s28+$0x10];
	_ =	sdelay $0x1  }
0x99: {  	(v2sf) =	vpush v0, $0xD;
	_ =	sdelay $0x2  }
0x9a: {  	[tilespmem:s25+$0x210] =	vst v1  }
0x9b: {  	v1 =	vld [tilespmem:s28+$0x20];
	_ =	sdelay $0x4  }
0x9c: {  	[tilespmem:s25+$0x220] =	vst v1  }
0x9d: {  	v1 =	vld [tilespmem:s28+$0x30];
	_ =	sdelay $0x4  }
0x9e: {  	s29 =	spop (v2sf);
	[tilespmem:s25+$0x230] =	vst v1  }
0x9f: {  	v1 =	vld [tilespmem:s29+$0x0];
	_ =	sdelay $0x4  }
0xa0: {  	[tilespmem:s25+$0x280] =	vst v1  }
0xa1: {  	v1 =	vld [tilespmem:s29+$0x10];
	_ =	sdelay $0x1  }
0xa2: {  	(v2sf) =	vpush v0, $0xE;
	_ =	sdelay $0x2  }
0xa3: {  	[tilespmem:s25+$0x290] =	vst v1  }
0xa4: {  	v1 =	vld [tilespmem:s29+$0x20];
	_ =	sdelay $0x4  }
0xa5: {  	[tilespmem:s25+$0x2A0] =	vst v1  }
0xa6: {  	v1 =	vld [tilespmem:s29+$0x30];
	_ =	sdelay $0x4  }
0xa7: {  	s30 =	spop (v2sf);
	[tilespmem:s25+$0x2B0] =	vst v1  }
0xa8: {  	v1 =	vld [tilespmem:s30+$0x0];
	_ =	sdelay $0x4  }
0xa9: {  	[tilespmem:s25+$0x300] =	vst v1  }
0xaa: {  	v1 =	vld [tilespmem:s30+$0x10];
	_ =	sdelay $0x1  }
0xab: {  	(v2sf) =	vpush v0, $0xF;
	_ =	sdelay $0x2  }
0xac: {  	[tilespmem:s25+$0x310] =	vst v1  }
0xad: {  	v63 =	vld [tilespmem:s30+$0x20];
	_ =	sdelay $0x4  }
0xae: {  	[tilespmem:s25+$0x320] =	vst v63  }
0xaf: {  	v0 =	vld [tilespmem:s30+$0x30];
	_ =	sdelay $0x4  }
0xb0: {  	s31 =	spop (v2sf);
	[tilespmem:s25+$0x330] =	vst v0  }
0xb1: {  	v0 =	vld [tilespmem:s31+$0x0];
	_ =	sdelay $0x4  }
0xb2: {  	[tilespmem:s25+$0x380] =	vst v0  }
0xb3: {  	v0 =	vld [tilespmem:s31+$0x10];
	_ =	sdelay $0x4  }
0xb4: {  	[tilespmem:s25+$0x390] =	vst v0  }
0xb5: {  	v0 =	vld [tilespmem:s31+$0x20];
	_ =	sdelay $0x4  }
0xb6: {  	[tilespmem:s25+$0x3A0] =	vst v0  }
0xb7: {  	p0 =	sne.s32 s24, $0x600;
	v0 =	vld [tilespmem:s31+$0x30]  }
.Ltmp2:
0xb8: {  	_ = 	snop;
	(pc) =	sbr.rel @p0 .LBB2_3-.Ltmp2, $2  }
0xb9: {  	_ =	sdelay $0x2  }
0xba: {  	s24 =	sadd.s32 $0x40, s24;
	[tilespmem:s25+$0x3B0] =	vst v0;
	s25 =	sadd.s32 $0x800, s25  }
0xbb: {  	s24 =	smul.u32 $0x320, s23;
	_ =	sdelay $0x1  }
0xbc: {  	s25 =	sadd.s32 s5, s24  }
0xbd: {  	s25 =	sshll.u32 s25, $0x4  }
0xbe: {  	p0 =	seq.s32 s23, $0x7F;
	s25 =	sadd.s32 s6, s25  }
0xbf: {  	[hbm4b:s25+s4] =	stream.linear.scatter [tilespmem:s17], [sflag:$0x4], $0xC800, $0x38;
	[tilespmem:$0x1CE00] =	vst v63  }
0xc0: {  	s25 =	sadd.s32 @!p0 s24, s9  }
0xc1: {  	p1 =	seq.s32 @!p0 s23, $0x0;
	s26 =	simm.s32 @!p0 $0x0;
	s25 =	sshrl.u32 @!p0 s25, $0x3  }
0xc2: {  	s28 =	simm.s32 @!p0 $0x3A00;
	p1 =	por p0, !p1;
	s25 =	sadd.s32 @!p0 s3, s25  }
0xc3: {  	[tilespmem:s28], [sflag:$0x2] =	stream.linear.gather @!p0 [hbm4b:s25+s26], $0x190, $0x38;
	[tilespmem:$0x1CE00] =	vst v63  }
0xc4: {  	_ =	swait.ge @p1 [sflag:s21], $0xC800  }
0xc5: {  	[sflag:s21] =	ssyncset.done @p1 $0x0  }
0xc6: {  	[sflag:s21] =	ssyncadd.s32 @p1 $0xFFFF3800  }
0xc7: {  	_ =	swait.ge [sflag:s18], $0x190  }
0xc8: {  	[sflag:s18] =	ssyncset.done $0x0  }
0xc9: {  	s25 =	simm.s32 $0x0;
	s26 =	simm.s32 $0x10A00;
	[sflag:s18] =	ssyncadd.s32 $0xFFFFFE70  }
.LBB2_5:
0xca: {  	s28 =	sshra.s32 s25, $0x2  }
0xcb: {  	v0 =	vld [tilespmem:s28+$0x3C00];
	_ =	sdelay $0x4  }
0xcc: {  	v0 =	vshll.u32 v0, $0x6  }
0xcd: {  	(v2sf) =	vpush v0, $0x0;
	_ =	sdelay $0xe  }
0xce: {  	s31 =	spop (v2sf)  }
0xcf: {  	v1 =	vld [tilespmem:s31+$0x0];
	_ =	sdelay $0x4  }
0xd0: {  	[tilespmem:s26+$0xFFFFFC00] =	vst v1  }
0xd1: {  	v1 =	vld [tilespmem:s31+$0x10];
	_ =	sdelay $0x1  }
0xd2: {  	(v2sf) =	vpush v0, $0x1;
	_ =	sdelay $0x2  }
0xd3: {  	[tilespmem:s26+$0xFFFFFC10] =	vst v1  }
0xd4: {  	v1 =	vld [tilespmem:s31+$0x20];
	_ =	sdelay $0x4  }
0xd5: {  	[tilespmem:s26+$0xFFFFFC20] =	vst v1  }
0xd6: {  	v1 =	vld [tilespmem:s31+$0x30];
	_ =	sdelay $0x4  }
0xd7: {  	s29 =	spop (v2sf);
	[tilespmem:s26+$0xFFFFFC30] =	vst v1  }
0xd8: {  	v1 =	vld [tilespmem:s29+$0x0];
	_ =	sdelay $0x4  }
0xd9: {  	[tilespmem:s26+$0xFFFFFC80] =	vst v1  }
0xda: {  	v1 =	vld [tilespmem:s29+$0x10];
	_ =	sdelay $0x1  }
0xdb: {  	(v2sf) =	vpush v0, $0x2;
	_ =	sdelay $0x2  }
0xdc: {  	[tilespmem:s26+$0xFFFFFC90] =	vst v1  }
0xdd: {  	v1 =	vld [tilespmem:s29+$0x20];
	_ =	sdelay $0x4  }
0xde: {  	[tilespmem:s26+$0xFFFFFCA0] =	vst v1  }
0xdf: {  	v1 =	vld [tilespmem:s29+$0x30];
	_ =	sdelay $0x4  }
0xe0: {  	s30 =	spop (v2sf);
	[tilespmem:s26+$0xFFFFFCB0] =	vst v1  }
0xe1: {  	v1 =	vld [tilespmem:s30+$0x0];
	_ =	sdelay $0x4  }
0xe2: {  	[tilespmem:s26+$0xFFFFFD00] =	vst v1  }
0xe3: {  	v1 =	vld [tilespmem:s30+$0x10];
	_ =	sdelay $0x1  }
0xe4: {  	(v2sf) =	vpush v0, $0x3;
	_ =	sdelay $0x2  }
0xe5: {  	[tilespmem:s26+$0xFFFFFD10] =	vst v1  }
0xe6: {  	v1 =	vld [tilespmem:s30+$0x20];
	_ =	sdelay $0x4  }
0xe7: {  	[tilespmem:s26+$0xFFFFFD20] =	vst v1  }
0xe8: {  	v1 =	vld [tilespmem:s30+$0x30];
	_ =	sdelay $0x4  }
0xe9: {  	s31 =	spop (v2sf);
	[tilespmem:s26+$0xFFFFFD30] =	vst v1  }
0xea: {  	v1 =	vld [tilespmem:s31+$0x0];
	_ =	sdelay $0x4  }
0xeb: {  	[tilespmem:s26+$0xFFFFFD80] =	vst v1  }
0xec: {  	v1 =	vld [tilespmem:s31+$0x10];
	_ =	sdelay $0x1  }
0xed: {  	(v2sf) =	vpush v0, $0x4;
	_ =	sdelay $0x2  }
0xee: {  	[tilespmem:s26+$0xFFFFFD90] =	vst v1  }
0xef: {  	v1 =	vld [tilespmem:s31+$0x20];
	_ =	sdelay $0x4  }
0xf0: {  	[tilespmem:s26+$0xFFFFFDA0] =	vst v1  }
0xf1: {  	v1 =	vld [tilespmem:s31+$0x30];
	_ =	sdelay $0x4  }
0xf2: {  	s29 =	spop (v2sf);
	[tilespmem:s26+$0xFFFFFDB0] =	vst v1  }
0xf3: {  	v1 =	vld [tilespmem:s29+$0x0];
	_ =	sdelay $0x4  }
0xf4: {  	[tilespmem:s26+$0xFFFFFE00] =	vst v1  }
0xf5: {  	v1 =	vld [tilespmem:s29+$0x10];
	_ =	sdelay $0x1  }
0xf6: {  	(v2sf) =	vpush v0, $0x5;
	_ =	sdelay $0x2  }
0xf7: {  	[tilespmem:s26+$0xFFFFFE10] =	vst v1  }
0xf8: {  	v1 =	vld [tilespmem:s29+$0x20];
	_ =	sdelay $0x4  }
0xf9: {  	[tilespmem:s26+$0xFFFFFE20] =	vst v1  }
0xfa: {  	v1 =	vld [tilespmem:s29+$0x30];
	_ =	sdelay $0x4  }
0xfb: {  	s30 =	spop (v2sf);
	[tilespmem:s26+$0xFFFFFE30] =	vst v1  }
0xfc: {  	v1 =	vld [tilespmem:s30+$0x0];
	_ =	sdelay $0x4  }
0xfd: {  	[tilespmem:s26+$0xFFFFFE80] =	vst v1  }
0xfe: {  	v1 =	vld [tilespmem:s30+$0x10];
	_ =	sdelay $0x1  }
0xff: {  	(v2sf) =	vpush v0, $0x6;
	_ =	sdelay $0x2  }
0x100: {  	[tilespmem:s26+$0xFFFFFE90] =	vst v1  }
0x101: {  	v1 =	vld [tilespmem:s30+$0x20];
	_ =	sdelay $0x4  }
0x102: {  	[tilespmem:s26+$0xFFFFFEA0] =	vst v1  }
0x103: {  	v1 =	vld [tilespmem:s30+$0x30];
	_ =	sdelay $0x4  }
0x104: {  	s31 =	spop (v2sf);
	[tilespmem:s26+$0xFFFFFEB0] =	vst v1  }
0x105: {  	v1 =	vld [tilespmem:s31+$0x0];
	_ =	sdelay $0x4  }
0x106: {  	[tilespmem:s26+$0xFFFFFF00] =	vst v1  }
0x107: {  	v1 =	vld [tilespmem:s31+$0x10];
	_ =	sdelay $0x1  }
0x108: {  	(v2sf) =	vpush v0, $0x7;
	_ =	sdelay $0x2  }
0x109: {  	[tilespmem:s26+$0xFFFFFF10] =	vst v1  }
0x10a: {  	v1 =	vld [tilespmem:s31+$0x20];
	_ =	sdelay $0x4  }
0x10b: {  	[tilespmem:s26+$0xFFFFFF20] =	vst v1  }
0x10c: {  	v1 =	vld [tilespmem:s31+$0x30];
	_ =	sdelay $0x4  }
0x10d: {  	s29 =	spop (v2sf);
	[tilespmem:s26+$0xFFFFFF30] =	vst v1  }
0x10e: {  	v1 =	vld [tilespmem:s29+$0x0];
	_ =	sdelay $0x4  }
0x10f: {  	[tilespmem:s26+$0xFFFFFF80] =	vst v1  }
0x110: {  	v1 =	vld [tilespmem:s29+$0x10];
	_ =	sdelay $0x1  }
0x111: {  	(v2sf) =	vpush v0, $0x8;
	_ =	sdelay $0x2  }
0x112: {  	[tilespmem:s26+$0xFFFFFF90] =	vst v1  }
0x113: {  	v1 =	vld [tilespmem:s29+$0x20];
	_ =	sdelay $0x4  }
0x114: {  	[tilespmem:s26+$0xFFFFFFA0] =	vst v1  }
0x115: {  	v1 =	vld [tilespmem:s29+$0x30];
	_ =	sdelay $0x4  }
0x116: {  	s30 =	spop (v2sf);
	[tilespmem:s26+$0xFFFFFFB0] =	vst v1  }
0x117: {  	v1 =	vld [tilespmem:s30+$0x0];
	_ =	sdelay $0x4  }
0x118: {  	[tilespmem:s26+$0x0] =	vst v1  }
0x119: {  	v1 =	vld [tilespmem:s30+$0x10];
	_ =	sdelay $0x1  }
0x11a: {  	(v2sf) =	vpush v0, $0x9;
	_ =	sdelay $0x2  }
0x11b: {  	[tilespmem:s26+$0x10] =	vst v1  }
0x11c: {  	v1 =	vld [tilespmem:s30+$0x20];
	_ =	sdelay $0x4  }
0x11d: {  	[tilespmem:s26+$0x20] =	vst v1  }
0x11e: {  	v1 =	vld [tilespmem:s30+$0x30];
	_ =	sdelay $0x4  }
0x11f: {  	s31 =	spop (v2sf);
	[tilespmem:s26+$0x30] =	vst v1  }
0x120: {  	v1 =	vld [tilespmem:s31+$0x0];
	_ =	sdelay $0x4  }
0x121: {  	[tilespmem:s26+$0x80] =	vst v1  }
0x122: {  	v1 =	vld [tilespmem:s31+$0x10];
	_ =	sdelay $0x1  }
0x123: {  	(v2sf) =	vpush v0, $0xA;
	_ =	sdelay $0x2  }
0x124: {  	[tilespmem:s26+$0x90] =	vst v1  }
0x125: {  	v1 =	vld [tilespmem:s31+$0x20];
	_ =	sdelay $0x4  }
0x126: {  	[tilespmem:s26+$0xA0] =	vst v1  }
0x127: {  	v1 =	vld [tilespmem:s31+$0x30];
	_ =	sdelay $0x4  }
0x128: {  	s29 =	spop (v2sf);
	[tilespmem:s26+$0xB0] =	vst v1  }
0x129: {  	v1 =	vld [tilespmem:s29+$0x0];
	_ =	sdelay $0x4  }
0x12a: {  	[tilespmem:s26+$0x100] =	vst v1  }
0x12b: {  	v1 =	vld [tilespmem:s29+$0x10];
	_ =	sdelay $0x1  }
0x12c: {  	(v2sf) =	vpush v0, $0xB;
	_ =	sdelay $0x2  }
0x12d: {  	[tilespmem:s26+$0x110] =	vst v1  }
0x12e: {  	v1 =	vld [tilespmem:s29+$0x20];
	_ =	sdelay $0x4  }
0x12f: {  	[tilespmem:s26+$0x120] =	vst v1  }
0x130: {  	v1 =	vld [tilespmem:s29+$0x30];
	_ =	sdelay $0x4  }
0x131: {  	s30 =	spop (v2sf);
	[tilespmem:s26+$0x130] =	vst v1  }
0x132: {  	v1 =	vld [tilespmem:s30+$0x0];
	_ =	sdelay $0x4  }
0x133: {  	[tilespmem:s26+$0x180] =	vst v1  }
0x134: {  	v1 =	vld [tilespmem:s30+$0x10];
	_ =	sdelay $0x1  }
0x135: {  	(v2sf) =	vpush v0, $0xC;
	_ =	sdelay $0x2  }
0x136: {  	[tilespmem:s26+$0x190] =	vst v1  }
0x137: {  	v1 =	vld [tilespmem:s30+$0x20];
	_ =	sdelay $0x4  }
0x138: {  	[tilespmem:s26+$0x1A0] =	vst v1  }
0x139: {  	v1 =	vld [tilespmem:s30+$0x30];
	_ =	sdelay $0x4  }
0x13a: {  	s31 =	spop (v2sf);
	[tilespmem:s26+$0x1B0] =	vst v1  }
0x13b: {  	v1 =	vld [tilespmem:s31+$0x0];
	_ =	sdelay $0x4  }
0x13c: {  	[tilespmem:s26+$0x200] =	vst v1  }
0x13d: {  	v1 =	vld [tilespmem:s31+$0x10];
	_ =	sdelay $0x1  }
0x13e: {  	(v2sf) =	vpush v0, $0xD;
	_ =	sdelay $0x2  }
0x13f: {  	[tilespmem:s26+$0x210] =	vst v1  }
0x140: {  	v1 =	vld [tilespmem:s31+$0x20];
	_ =	sdelay $0x4  }
0x141: {  	[tilespmem:s26+$0x220] =	vst v1  }
0x142: {  	v1 =	vld [tilespmem:s31+$0x30];
	_ =	sdelay $0x4  }
0x143: {  	s29 =	spop (v2sf);
	[tilespmem:s26+$0x230] =	vst v1  }
0x144: {  	v1 =	vld [tilespmem:s29+$0x0];
	_ =	sdelay $0x4  }
0x145: {  	[tilespmem:s26+$0x280] =	vst v1  }
0x146: {  	v1 =	vld [tilespmem:s29+$0x10];
	_ =	sdelay $0x1  }
0x147: {  	(v2sf) =	vpush v0, $0xE;
	_ =	sdelay $0x2  }
0x148: {  	[tilespmem:s26+$0x290] =	vst v1  }
0x149: {  	v1 =	vld [tilespmem:s29+$0x20];
	_ =	sdelay $0x4  }
0x14a: {  	[tilespmem:s26+$0x2A0] =	vst v1  }
0x14b: {  	v1 =	vld [tilespmem:s29+$0x30];
	_ =	sdelay $0x4  }
0x14c: {  	s30 =	spop (v2sf);
	[tilespmem:s26+$0x2B0] =	vst v1  }
0x14d: {  	v1 =	vld [tilespmem:s30+$0x0];
	_ =	sdelay $0x4  }
0x14e: {  	[tilespmem:s26+$0x300] =	vst v1  }
0x14f: {  	v1 =	vld [tilespmem:s30+$0x10];
	_ =	sdelay $0x1  }
0x150: {  	(v2sf) =	vpush v0, $0xF;
	_ =	sdelay $0x2  }
0x151: {  	[tilespmem:s26+$0x310] =	vst v1  }
0x152: {  	v63 =	vld [tilespmem:s30+$0x20];
	_ =	sdelay $0x4  }
0x153: {  	[tilespmem:s26+$0x320] =	vst v63  }
0x154: {  	v0 =	vld [tilespmem:s30+$0x30];
	_ =	sdelay $0x4  }
0x155: {  	s31 =	spop (v2sf);
	[tilespmem:s26+$0x330] =	vst v0  }
0x156: {  	v0 =	vld [tilespmem:s31+$0x0];
	_ =	sdelay $0x4  }
0x157: {  	[tilespmem:s26+$0x380] =	vst v0  }
0x158: {  	v0 =	vld [tilespmem:s31+$0x10];
	_ =	sdelay $0x4  }
0x159: {  	[tilespmem:s26+$0x390] =	vst v0  }
0x15a: {  	v0 =	vld [tilespmem:s31+$0x20];
	_ =	sdelay $0x4  }
0x15b: {  	[tilespmem:s26+$0x3A0] =	vst v0  }
0x15c: {  	p1 =	sne.s32 s25, $0x600;
	v0 =	vld [tilespmem:s31+$0x30]  }
.Ltmp3:
0x15d: {  	_ = 	snop;
	(pc) =	sbr.rel @p1 .LBB2_5-.Ltmp3, $2  }
0x15e: {  	_ =	sdelay $0x2  }
0x15f: {  	s25 =	sadd.s32 $0x40, s25;
	[tilespmem:s26+$0x3B0] =	vst v0;
	s26 =	sadd.s32 $0x800, s26  }
.Ltmp4:
0x160: {  	(pc) =	sbr.rel @p0 .LBB2_8-.Ltmp4, $4  }
0x161: {  	s25 =	sadd.s32 s24, s10  }
0x162: {  	s25 =	sshll.u32 s25, $0x4  }
0x163: {  	s25 =	sadd.s32 s6, s25  }
0x164: {  	[hbm4b:s25+s4] =	stream.linear.scatter [tilespmem:s19], [sflag:$0x5], $0xC800, $0x38;
	[tilespmem:$0x1CE00] =	vst v63  }
.Ltmp5:
0x165: {  	(pc) =	sbr.rel .LBB2_2-.Ltmp5, $4  }
0x166: {  	s24 =	sadd.s32 s24, s11  }
0x167: {  	s24 =	sshrl.u32 s24, $0x3  }
0x168: {  	s23 =	sadd.s32 $0x1, s23;
	s24 =	sadd.s32 s3, s24  }
0x169: {  	[tilespmem:s14], [sflag:$0x3] =	stream.linear.gather [hbm4b:s24+s4], $0x190, $0x38;
	[tilespmem:$0x1CE00] =	vst v63  }
.LBB2_9:
0x16a: {  	_ =	sfence.sel $0x180000  }
0x16b: {  	[bflag:$0x0] =	sbarrier.arrive $0xFFFF  }
0x16c: {  	p0 =	sne.s32 s0, $0x0;
	_ =	strace $0x90000047  }
0x16d: {  	s0 =	sadd.s32 @!p0 $0x100000, s2;
	[bflag:$0x2] =	sbarrier.arrive $0xFFFF  }
0x16e: {  	[sflag:s0] =	ssyncadd.tile.s32 @!p0 $0x1;
	_ =	shalt  }
.Lfunc_end2:
_tile_overlayer_lowered:
.L_overlay_start_2:
0x16f: {  	(tag) =	ssettag $0x2  }
0x170: {  	s0 =	rddreg [dreg:$0x0];
	s2 =	stileid.u32  }
0x171: {  	s1 =	rddreg [dreg:$0x1];
	p0 =	sne.s32 s2, $0x0  }
0x172: {  	s3 =	rddreg [dreg:$0x2];
	[bflag:$0x3] =	sbarrier.arrive $0xFFFF;
	s2 =	simm.s32 @!p0 $0x1C06  }
0x173: {  	[timem:s3], [sflag:s2] =	dma.local @!p0 [hbm:s0], s1  }
0x174: {  	s0 =	simm.s32 @!p0 $0x6  }
0x175: {  	_ =	swait.ge @!p0 [sflag:s0], s1  }
0x176: {  	s1 =	ssub.s32 @!p0 $0x0, s1;
	[sflag:s0] =	ssyncset.done @!p0 $0x0  }
0x177: {  	[sflag:s0] =	ssyncadd.s32 @!p0 s1  }
0x178: {  	[bflag:$0x3] =	sbarrier.arrive $0xFFFF  }
0x179: {  	_ =	shalt  }

</sc_bundles>
